<compile_context>
chip_gen: v7x
topology: tpu7x:2x2x1
jax: 0.10.2.dev20260603
libtpu: 0.0.44.dev20260713+nightly
codegen_flags: <defaults>
</compile_context>

<pallas_src>
import functools

import jax
import jax.numpy as jnp
from jax import lax
from jax.experimental import pallas as pl
from jax.experimental.pallas import tpu as pltpu
from jax.experimental.pallas import tpu_sc as plsc

_N = 10000
_E = 320000
_D = 128
_NPAD = 10240
_NTILES = 32
_EPT = _E // _NTILES
_CHUNK = 128
_FULL = _EPT // _CHUNK
_REM = _EPT - _FULL * _CHUNK


def _sc_mesh():
    return plsc.VectorSubcoreMesh(core_axis_name="c", subcore_axis_name="s")


@functools.partial(
    pl.kernel,
    out_type=jax.ShapeDtypeStruct((2 * _NPAD,), jnp.float32),
    mesh=_sc_mesh(),
    scratch_types=[
        pltpu.VMEM_SHARED((_NPAD,), jnp.float32),
        pltpu.VMEM((_CHUNK,), jnp.int32),
        pltpu.VMEM((_REM,), jnp.int32),
        pltpu.VMEM((_CHUNK,), jnp.float32),
        pltpu.VMEM((_REM,), jnp.float32),
    ],
)
def _deg_kernel(dst_hbm, zeros_hbm, out_hbm, acc, idx, idx16, ones, ones16):
    c = lax.axis_index("c")
    s = lax.axis_index("s")
    r0 = s * (_NPAD // 16)
    pltpu.sync_copy(zeros_hbm.at[pl.ds(r0, _NPAD // 16)],
                    acc.at[pl.ds(r0, _NPAD // 16)])
    for j in range(_CHUNK // 16):
        ones[pl.ds(j * 16, 16)] = jnp.ones((16,), jnp.float32)
    ones16[...] = jnp.ones((_REM,), jnp.float32)
    plsc.subcore_barrier()

    base = (c * 16 + s) * _EPT

    def body(i, carry):
        pltpu.sync_copy(dst_hbm.at[pl.ds(base + i * _CHUNK, _CHUNK)], idx)
        pltpu.sync_copy(ones, acc.at[idx], add=True)
        return carry

    lax.fori_loop(0, _FULL, body, 0)
    pltpu.sync_copy(dst_hbm.at[pl.ds(base + _FULL * _CHUNK, _REM)], idx16)
    pltpu.sync_copy(ones16, acc.at[idx16], add=True)
    plsc.subcore_barrier()
    pltpu.sync_copy(acc.at[pl.ds(r0, _NPAD // 16)],
                    out_hbm.at[pl.ds(c * _NPAD + r0, _NPAD // 16)])


@functools.partial(
    pl.kernel,
    out_type=jax.ShapeDtypeStruct((2, _NPAD, _D), jnp.float32),
    mesh=_sc_mesh(),
    scratch_types=[
        pltpu.VMEM_SHARED((_NPAD, _D), jnp.float32),
        pltpu.VMEM((_CHUNK,), jnp.int32),
        pltpu.VMEM((_CHUNK,), jnp.int32),
        pltpu.VMEM((_REM,), jnp.int32),
        pltpu.VMEM((_REM,), jnp.int32),
        pltpu.VMEM((_CHUNK, _D), jnp.float32),
        pltpu.VMEM((_REM, _D), jnp.float32),
        pltpu.SemaphoreType.DMA,
    ],
)
def _scatter_kernel(src_hbm, dst_hbm, g_hbm, zeros_hbm, out_hbm,
                    acc, sidx, didx, sidx16, didx16, rows, rows16, sem):
    c = lax.axis_index("c")
    s = lax.axis_index("s")
    npt = _NPAD // 16
    r0 = s * npt
    @pl.when(jnp.logical_and(c == 0, s < 15))
    def _():
        pltpu.sync_copy(g_hbm.at[pl.ds(r0, npt)], acc.at[pl.ds(r0, npt)])

    @pl.when(jnp.logical_and(c == 0, s == 15))
    def _():
        pltpu.sync_copy(g_hbm.at[pl.ds(15 * npt, _N - 15 * npt)],
                        acc.at[pl.ds(15 * npt, _N - 15 * npt)])

    @pl.when(jnp.logical_and(c != 0, s < 15))
    def _():
        pltpu.sync_copy(zeros_hbm.at[pl.ds(r0, npt)], acc.at[pl.ds(r0, npt)])

    @pl.when(jnp.logical_and(c != 0, s == 15))
    def _():
        pltpu.sync_copy(zeros_hbm.at[pl.ds(15 * npt, _N - 15 * npt)],
                        acc.at[pl.ds(15 * npt, _N - 15 * npt)])

    plsc.subcore_barrier()
    base = (c * 16 + s) * _EPT

    def body(i, carry):
        off = base + i * _CHUNK
        pltpu.sync_copy(src_hbm.at[pl.ds(off, _CHUNK)], sidx)
        pltpu.sync_copy(dst_hbm.at[pl.ds(off, _CHUNK)], didx)
        pltpu.async_copy(g_hbm.at[sidx], rows, sem).wait()
        pltpu.sync_copy(rows, acc.at[didx], add=True)
        return carry

    lax.fori_loop(0, _FULL, body, 0)
    off = base + _FULL * _CHUNK
    pltpu.sync_copy(src_hbm.at[pl.ds(off, _REM)], sidx16)
    pltpu.sync_copy(dst_hbm.at[pl.ds(off, _REM)], didx16)
    pltpu.async_copy(g_hbm.at[sidx16], rows16, sem).wait()
    pltpu.sync_copy(rows16, acc.at[didx16], add=True)
    plsc.subcore_barrier()
    pltpu.sync_copy(acc.at[pl.ds(r0, npt)], out_hbm.at[c, pl.ds(r0, npt)])


_NIDX = 10240
_IPT = _NIDX // _NTILES


@functools.partial(
    pl.kernel,
    out_type=jax.ShapeDtypeStruct((_NIDX, _D), jnp.float32),
    mesh=_sc_mesh(),
    scratch_types=[
        pltpu.VMEM((_CHUNK,), jnp.int32),
        pltpu.VMEM((64,), jnp.int32),
        pltpu.VMEM((_CHUNK, _D), jnp.float32),
        pltpu.VMEM((64, _D), jnp.float32),
        pltpu.SemaphoreType.DMA,
    ],
)
def _headgather_kernel(v_hbm, idx_hbm, out_hbm, idx128, idx64, rows, rows64, sem):
    c = lax.axis_index("c")
    s = lax.axis_index("s")
    base = (c * 16 + s) * _IPT
    for j in range(2):
        pltpu.sync_copy(idx_hbm.at[pl.ds(base + j * _CHUNK, _CHUNK)], idx128)
        pltpu.async_copy(v_hbm.at[idx128], rows, sem).wait()
        pltpu.sync_copy(rows, out_hbm.at[pl.ds(base + j * _CHUNK, _CHUNK)])
    pltpu.sync_copy(idx_hbm.at[pl.ds(base + 256, 64)], idx64)
    pltpu.async_copy(v_hbm.at[idx64], rows64, sem).wait()
    pltpu.sync_copy(rows64, out_hbm.at[pl.ds(base + 256, 64)])


_BN = 1000


def _tc1_body(x_ref, w_ref, deg_ref, g_ref, dinv_ref):
    d = deg_ref[:, 0:1] + deg_ref[:, 1:2]
    dinv = lax.rsqrt(d + 1.0)
    h = jnp.dot(x_ref[...], w_ref[...], preferred_element_type=jnp.float32)
    g_ref[...] = h * dinv
    dinv_ref[...] = dinv


def _tc1(x, W1, degT):
    return pl.pallas_call(
        _tc1_body,
        grid=(_N // _BN,),
        in_specs=[
            pl.BlockSpec((_BN, _D), lambda i: (i, 0)),
            pl.BlockSpec((_D, _D), lambda i: (0, 0)),
            pl.BlockSpec((_BN, 2), lambda i: (i, 0)),
        ],
        out_specs=[
            pl.BlockSpec((_BN, _D), lambda i: (i, 0)),
            pl.BlockSpec((_BN, 1), lambda i: (i, 0)),
        ],
        out_shape=[
            jax.ShapeDtypeStruct((_N, _D), jnp.float32),
            jax.ShapeDtypeStruct((_N, 1), jnp.float32),
        ],
    )(x, W1, degT)


def _tc2_body(accA_ref, accB_ref, dinv_ref, b_ref, w_ref, g_ref):
    dinv = dinv_ref[...]
    pre = (accA_ref[0] + accB_ref[0]) * dinv + b_ref[...]
    xz1 = jnp.maximum(pre, 0.0)
    g_ref[...] = jnp.dot(xz1, w_ref[...],
                         preferred_element_type=jnp.float32) * dinv


def _tc2(acc, dinv, b1, W2):
    return pl.pallas_call(
        _tc2_body,
        grid=(_N // _BN,),
        in_specs=[
            pl.BlockSpec((1, _BN, _D), lambda i: (0, i, 0)),
            pl.BlockSpec((1, _BN, _D), lambda i: (1, i, 0)),
            pl.BlockSpec((_BN, 1), lambda i: (i, 0)),
            pl.BlockSpec((1, _D), lambda i: (0, 0)),
            pl.BlockSpec((_D, _D), lambda i: (0, 0)),
        ],
        out_specs=pl.BlockSpec((_BN, _D), lambda i: (i, 0)),
        out_shape=jax.ShapeDtypeStruct((_N, _D), jnp.float32),
    )(acc, acc, dinv, b1, W2)


def _tc3_body(accA_ref, accB_ref, dinv_ref, b_ref, wy_ref, by_ref,
              xz2_ref, v_ref):
    xz2 = (accA_ref[0] + accB_ref[0]) * dinv_ref[...] + b_ref[...]
    xz2_ref[...] = xz2
    u = jnp.dot(xz2, wy_ref[...], preferred_element_type=jnp.float32) + by_ref[...]
    v_ref[...] = jnp.where(u >= 0, u, 0.01 * u)


def _tc3(acc, dinv, b2, wy, by):
    return pl.pallas_call(
        _tc3_body,
        grid=(_N // _BN,),
        in_specs=[
            pl.BlockSpec((1, _BN, _D), lambda i: (0, i, 0)),
            pl.BlockSpec((1, _BN, _D), lambda i: (1, i, 0)),
            pl.BlockSpec((_BN, 1), lambda i: (i, 0)),
            pl.BlockSpec((1, _D), lambda i: (0, 0)),
            pl.BlockSpec((_D, _D), lambda i: (0, 0)),
            pl.BlockSpec((1, _D), lambda i: (0, 0)),
        ],
        out_specs=[
            pl.BlockSpec((_BN, _D), lambda i: (i, 0)),
            pl.BlockSpec((_BN, _D), lambda i: (i, 0)),
        ],
        out_shape=[
            jax.ShapeDtypeStruct((_N, _D), jnp.float32),
            jax.ShapeDtypeStruct((_N, _D), jnp.float32),
        ],
    )(acc, acc, dinv, b2, wy, by)


def kernel(x, edge_index, treat_idx, control_idx,
           W1, b1, W2, b2, Wy1, by1, Wy0, by0):
    f32 = jnp.float32
    src = edge_index[0]
    dst = edge_index[1]
    zeros_big = jnp.zeros((_N, _D), f32)
    zeros_deg = jnp.zeros((_NPAD,), f32)

    deg_parts = _deg_kernel(dst, zeros_deg)
    degT = deg_parts.reshape(2, _NPAD).T

    g1, dinv = _tc1(x, W1, degT)
    acc1 = _scatter_kernel(src, dst, g1, zeros_big)
    g2 = _tc2(acc1, dinv, b1.reshape(1, _D), W2)
    acc2 = _scatter_kernel(src, dst, g2, zeros_big)

    wy = jnp.zeros((_D, _D), f32).at[:, 0:1].set(Wy1).at[:, 1:2].set(Wy0)
    by = jnp.zeros((_D,), f32).at[0].set(by1[0]).at[1].set(by0[0]).reshape(1, _D)
    xZ2, v = _tc3(acc2, dinv, b2.reshape(1, _D), wy, by)

    idx_all = jnp.concatenate(
        [treat_idx, control_idx,
         jnp.zeros((_NIDX - 2 * 5000,), jnp.int32)])
    yout = _headgather_kernel(v, idx_all)

    y1 = yout[:5000, 0]
    yc0 = yout[:5000, 1]
    y0 = yout[5000:10000, 1]
    yc1 = yout[5000:10000, 0]
    return (y1, yc0, y0, yc1, xZ2)

# --- scband reference (transcript-rebuilt; emitter-appended) ---
"""Pipeline reference for scband-dd-35433480192874 (READ-ONLY COPY).

The authoritative reference and input builder live on the scoring server;
editing this copy changes nothing except your own understanding.
"""

import jax, jax.numpy as jnp
import numpy as np

N = 10000
E = 320000
D = 128
H = 128
OUT = 1
N_TREAT = 5000
N_CONTROL = 5000


def _gcn_conv(x, edge_index, W, b):
    n = x.shape[0]
    loop = jnp.arange(n, dtype=edge_index.dtype)
    src = jnp.concatenate([edge_index[0], loop])
    dst = jnp.concatenate([edge_index[1], loop])
    ones = jnp.ones(src.shape[0], dtype=x.dtype)
    deg = jnp.zeros((n,), dtype=x.dtype).at[dst].add(ones)
    dinv = jnp.where(deg > 0, deg ** -0.5, 0.0)
    coef = dinv[src] * dinv[dst]
    h = x @ W
    out = jnp.zeros((n, W.shape[1]), dtype=x.dtype).at[dst].add(coef[:, None] * h[src])
    return out + b


def _leaky_relu(v):
    return jnp.where(v >= 0, v, 0.01 * v)


def setup_inputs(seed: int = 0):
    key = jax.random.key(seed)
    ks = jax.random.split(key, 12)
    x = jax.random.normal(ks[0], (N, D), dtype=jnp.float32)
    edge_index = jax.random.randint(ks[1], (2, E), 0, N, dtype=jnp.int32)
    treat_idx = jax.random.randint(ks[2], (N_TREAT,), 0, N, dtype=jnp.int32)
    control_idx = jax.random.randint(ks[3], (N_CONTROL,), 0, N, dtype=jnp.int32)
    s1 = 1.0 / np.sqrt(D)
    s2 = 1.0 / np.sqrt(H)
    W1 = jax.random.uniform(ks[4], (D, H), minval=-s1, maxval=s1, dtype=jnp.float32)
    b1 = jnp.zeros((H,), dtype=jnp.float32)
    W2 = jax.random.uniform(ks[5], (H, H), minval=-s2, maxval=s2, dtype=jnp.float32)
    b2 = jnp.zeros((H,), dtype=jnp.float32)
    Wy1 = jax.random.uniform(ks[6], (H, OUT), minval=-s2, maxval=s2, dtype=jnp.float32)
    by1 = jax.random.uniform(ks[7], (OUT,), minval=-s2, maxval=s2, dtype=jnp.float32)
    Wy0 = jax.random.uniform(ks[8], (H, OUT), minval=-s2, maxval=s2, dtype=jnp.float32)
    by0 = jax.random.uniform(ks[9], (OUT,), minval=-s2, maxval=s2, dtype=jnp.float32)
    return {"x": x, "edge_index": edge_index, "treat_idx": treat_idx,
            "control_idx": control_idx, "W1": W1, "b1": b1, "W2": W2, "b2": b2,
            "Wy1": Wy1, "by1": by1, "Wy0": Wy0, "by0": by0}


def reference(x, edge_index, treat_idx, control_idx, W1, b1, W2, b2, Wy1, by1, Wy0, by0):
    xZ1 = jax.nn.relu(_gcn_conv(x, edge_index, W1, b1))
    # dropout is identity in eval mode
    xZ2 = _gcn_conv(xZ1, edge_index, W2, b2)
    zt = xZ2[treat_idx]
    zc = xZ2[control_idx]
    y1 = _leaky_relu(zt @ Wy1 + by1).squeeze(-1)
    yc0 = _leaky_relu(zt @ Wy0 + by0).squeeze(-1)
    y0 = _leaky_relu(zc @ Wy0 + by0).squeeze(-1)
    yc1 = _leaky_relu(zc @ Wy1 + by1).squeeze(-1)
    return (y1, yc0, y0, yc1, xZ2)

if __name__ == "__main__":
    import jax
    _d = setup_inputs()
    print(jax.jit(kernel)(*tuple(_d.values())))

</pallas_src>

<mosaic_0001>
#map = affine_map<(d0, d1) -> (0)>
#map1 = affine_map<(d0, d1) -> (0, 0)>
#map2 = affine_map<(d0, d1) -> (0, 0, 0)>
module attributes {stable_mosaic.version = 14 : i64} {
  func.func @_scatter_kernel(%arg0: i32, %arg1: i32, %arg2: memref<320000xi32, #tpu.memory_space<hbm>>, %arg3: memref<320000xi32, #tpu.memory_space<hbm>>, %arg4: memref<10000x128xf32, #tpu.memory_space<hbm>>, %arg5: memref<10000x128xf32, #tpu.memory_space<hbm>>, %arg6: memref<2x10240x128xf32, #tpu.memory_space<hbm>>, %arg7: memref<10240x128xf32, #tpu.memory_space<vmem_shared>>, %arg8: memref<128xi32, #tpu.memory_space<vmem>>, %arg9: memref<128xi32, #tpu.memory_space<vmem>>, %arg10: memref<16xi32, #tpu.memory_space<vmem>>, %arg11: memref<16xi32, #tpu.memory_space<vmem>>, %arg12: memref<128x128xf32, #tpu.memory_space<vmem>>, %arg13: memref<16x128xf32, #tpu.memory_space<vmem>>, %arg14: memref<!tpu.dma_semaphore, #tpu.memory_space<semaphore_mem>>) attributes {dimension_semantics = [#tpu.dimension_semantics<core_parallel>, #tpu.dimension_semantics<subcore_parallel>], iteration_bounds = array<i64: 2, 16>, scalar_prefetch = 0 : i64, scratch_operands = 8 : i64, tpu.core_type = #tpu.core_type<sc_vector_subcore>, window_params = [{transform_indices = #map}, {transform_indices = #map}, {transform_indices = #map1}, {transform_indices = #map1}, {transform_indices = #map2}]} {
    %mul3A = arith.constant 640 : i32
    %mul3A_0 = arith.muli %arg1, %mul3A : i32
    %eq3A = arith.constant 0 : i32
    %eq3A_1 = arith.cmpi eq, %arg0, %eq3A : i32
    %lt3A = arith.constant 15 : i32
    %lt3A_2 = arith.cmpi slt, %arg1, %lt3A : i32
    %and3A = arith.andi %eq3A_1, %lt3A_2 : i1
    %convert_element_type3A = arith.extui %and3A : i1 to i32
    %cond3A = arith.constant 0 : i32
    %cond3A_3 = arith.cmpi ne, %convert_element_type3A, %cond3A : i32
    scf.if %cond3A_3 {
      "tpu.region"() ({
        %run_scoped3A = tpu.sem_alloc : memref<!tpu.dma_semaphore, #tpu.memory_space<semaphore_mem>>
        %dma_start3A_43 = arith.constant 0 : i32
        %dma_start3A_44 = tpu.memref_slice %arg7[%mul3A_0, %dma_start3A_43] : memref<10240x128xf32, #tpu.memory_space<vmem_shared>> -> memref<640x128xf32, #tpu.memory_space<vmem_shared>>
        %dma_start3A_45 = arith.constant 0 : i32
        %dma_start3A_46 = tpu.memref_slice %arg4[%mul3A_0, %dma_start3A_45] : memref<10000x128xf32, #tpu.memory_space<hbm>> -> memref<640x128xf32, #tpu.memory_space<hbm>>
        tpu.enqueue_dma source(%dma_start3A_46 : memref<640x128xf32, #tpu.memory_space<hbm>>) target(%dma_start3A_44 : memref<640x128xf32, #tpu.memory_space<vmem_shared>>) target_semaphore(%run_scoped3A : memref<!tpu.dma_semaphore, #tpu.memory_space<semaphore_mem>>)
        %dma_wait3A_47 = arith.constant 0 : i32
        %dma_wait3A_48 = tpu.memref_slice %arg7[%mul3A_0, %dma_wait3A_47] : memref<10240x128xf32, #tpu.memory_space<vmem_shared>> -> memref<640x128xf32, #tpu.memory_space<vmem_shared>>
        %dma_wait3A_49 = arith.constant 0 : i32
        %dma_wait3A_50 = tpu.memref_slice %arg4[%mul3A_0, %dma_wait3A_49] : memref<10000x128xf32, #tpu.memory_space<hbm>> -> memref<640x128xf32, #tpu.memory_space<hbm>>
        tpu.wait_dma2 semaphore(%run_scoped3A : memref<!tpu.dma_semaphore, #tpu.memory_space<semaphore_mem>>) src(%dma_wait3A_50 : memref<640x128xf32, #tpu.memory_space<hbm>>) dst(%dma_wait3A_48 : memref<640x128xf32, #tpu.memory_space<vmem_shared>>)
        tpu.yield
      }) : () -> ()
    } else {
    }
    %eq3A_4 = arith.constant 0 : i32
    %eq3A_5 = arith.cmpi eq, %arg0, %eq3A_4 : i32
    %eq3A_6 = arith.constant 15 : i32
    %eq3A_7 = arith.cmpi eq, %arg1, %eq3A_6 : i32
    %and3A_8 = arith.andi %eq3A_5, %eq3A_7 : i1
    %convert_element_type3A_9 = arith.extui %and3A_8 : i1 to i32
    %cond3A_10 = arith.constant 0 : i32
    %cond3A_11 = arith.cmpi ne, %convert_element_type3A_9, %cond3A_10 : i32
    scf.if %cond3A_11 {
      "tpu.region"() ({
        %run_scoped3A = tpu.sem_alloc : memref<!tpu.dma_semaphore, #tpu.memory_space<semaphore_mem>>
        %dma_start3A_43 = arith.constant 9600 : i32
        %dma_start3A_44 = arith.constant 0 : i32
        %dma_start3A_45 = tpu.memref_slice %arg7[%dma_start3A_43, %dma_start3A_44] : memref<10240x128xf32, #tpu.memory_space<vmem_shared>> -> memref<400x128xf32, #tpu.memory_space<vmem_shared>>
        %dma_start3A_46 = arith.constant 9600 : i32
        %dma_start3A_47 = arith.constant 0 : i32
        %dma_start3A_48 = tpu.memref_slice %arg4[%dma_start3A_46, %dma_start3A_47] : memref<10000x128xf32, #tpu.memory_space<hbm>> -> memref<400x128xf32, #tpu.memory_space<hbm>>
        tpu.enqueue_dma source(%dma_start3A_48 : memref<400x128xf32, #tpu.memory_space<hbm>>) target(%dma_start3A_45 : memref<400x128xf32, #tpu.memory_space<vmem_shared>>) target_semaphore(%run_scoped3A : memref<!tpu.dma_semaphore, #tpu.memory_space<semaphore_mem>>)
        %dma_wait3A_49 = arith.constant 9600 : i32
        %dma_wait3A_50 = arith.constant 0 : i32
        %dma_wait3A_51 = tpu.memref_slice %arg7[%dma_wait3A_49, %dma_wait3A_50] : memref<10240x128xf32, #tpu.memory_space<vmem_shared>> -> memref<400x128xf32, #tpu.memory_space<vmem_shared>>
        %dma_wait3A_52 = arith.constant 9600 : i32
        %dma_wait3A_53 = arith.constant 0 : i32
        %dma_wait3A_54 = tpu.memref_slice %arg4[%dma_wait3A_52, %dma_wait3A_53] : memref<10000x128xf32, #tpu.memory_space<hbm>> -> memref<400x128xf32, #tpu.memory_space<hbm>>
        tpu.wait_dma2 semaphore(%run_scoped3A : memref<!tpu.dma_semaphore, #tpu.memory_space<semaphore_mem>>) src(%dma_wait3A_54 : memref<400x128xf32, #tpu.memory_space<hbm>>) dst(%dma_wait3A_51 : memref<400x128xf32, #tpu.memory_space<vmem_shared>>)
        tpu.yield
      }) : () -> ()
    } else {
    }
    %ne3A = arith.constant 0 : i32
    %ne3A_12 = arith.cmpi ne, %arg0, %ne3A : i32
    %lt3A_13 = arith.constant 15 : i32
    %lt3A_14 = arith.cmpi slt, %arg1, %lt3A_13 : i32
    %and3A_15 = arith.andi %ne3A_12, %lt3A_14 : i1
    %convert_element_type3A_16 = arith.extui %and3A_15 : i1 to i32
    %cond3A_17 = arith.constant 0 : i32
    %cond3A_18 = arith.cmpi ne, %convert_element_type3A_16, %cond3A_17 : i32
    scf.if %cond3A_18 {
      "tpu.region"() ({
        %run_scoped3A = tpu.sem_alloc : memref<!tpu.dma_semaphore, #tpu.memory_space<semaphore_mem>>
        %dma_start3A_43 = arith.constant 0 : i32
        %dma_start3A_44 = tpu.memref_slice %arg7[%mul3A_0, %dma_start3A_43] : memref<10240x128xf32, #tpu.memory_space<vmem_shared>> -> memref<640x128xf32, #tpu.memory_space<vmem_shared>>
        %dma_start3A_45 = arith.constant 0 : i32
        %dma_start3A_46 = tpu.memref_slice %arg5[%mul3A_0, %dma_start3A_45] : memref<10000x128xf32, #tpu.memory_space<hbm>> -> memref<640x128xf32, #tpu.memory_space<hbm>>
        tpu.enqueue_dma source(%dma_start3A_46 : memref<640x128xf32, #tpu.memory_space<hbm>>) target(%dma_start3A_44 : memref<640x128xf32, #tpu.memory_space<vmem_shared>>) target_semaphore(%run_scoped3A : memref<!tpu.dma_semaphore, #tpu.memory_space<semaphore_mem>>)
        %dma_wait3A_47 = arith.constant 0 : i32
        %dma_wait3A_48 = tpu.memref_slice %arg7[%mul3A_0, %dma_wait3A_47] : memref<10240x128xf32, #tpu.memory_space<vmem_shared>> -> memref<640x128xf32, #tpu.memory_space<vmem_shared>>
        %dma_wait3A_49 = arith.constant 0 : i32
        %dma_wait3A_50 = tpu.memref_slice %arg5[%mul3A_0, %dma_wait3A_49] : memref<10000x128xf32, #tpu.memory_space<hbm>> -> memref<640x128xf32, #tpu.memory_space<hbm>>
        tpu.wait_dma2 semaphore(%run_scoped3A : memref<!tpu.dma_semaphore, #tpu.memory_space<semaphore_mem>>) src(%dma_wait3A_50 : memref<640x128xf32, #tpu.memory_space<hbm>>) dst(%dma_wait3A_48 : memref<640x128xf32, #tpu.memory_space<vmem_shared>>)
        tpu.yield
      }) : () -> ()
    } else {
    }
    %ne3A_19 = arith.constant 0 : i32
    %ne3A_20 = arith.cmpi ne, %arg0, %ne3A_19 : i32
    %eq3A_21 = arith.constant 15 : i32
    %eq3A_22 = arith.cmpi eq, %arg1, %eq3A_21 : i32
    %and3A_23 = arith.andi %ne3A_20, %eq3A_22 : i1
    %convert_element_type3A_24 = arith.extui %and3A_23 : i1 to i32
    %cond3A_25 = arith.constant 0 : i32
    %cond3A_26 = arith.cmpi ne, %convert_element_type3A_24, %cond3A_25 : i32
    scf.if %cond3A_26 {
      "tpu.region"() ({
        %run_scoped3A = tpu.sem_alloc : memref<!tpu.dma_semaphore, #tpu.memory_space<semaphore_mem>>
        %dma_start3A_43 = arith.constant 9600 : i32
        %dma_start3A_44 = arith.constant 0 : i32
        %dma_start3A_45 = tpu.memref_slice %arg7[%dma_start3A_43, %dma_start3A_44] : memref<10240x128xf32, #tpu.memory_space<vmem_shared>> -> memref<400x128xf32, #tpu.memory_space<vmem_shared>>
        %dma_start3A_46 = arith.constant 9600 : i32
        %dma_start3A_47 = arith.constant 0 : i32
        %dma_start3A_48 = tpu.memref_slice %arg5[%dma_start3A_46, %dma_start3A_47] : memref<10000x128xf32, #tpu.memory_space<hbm>> -> memref<400x128xf32, #tpu.memory_space<hbm>>
        tpu.enqueue_dma source(%dma_start3A_48 : memref<400x128xf32, #tpu.memory_space<hbm>>) target(%dma_start3A_45 : memref<400x128xf32, #tpu.memory_space<vmem_shared>>) target_semaphore(%run_scoped3A : memref<!tpu.dma_semaphore, #tpu.memory_space<semaphore_mem>>)
        %dma_wait3A_49 = arith.constant 9600 : i32
        %dma_wait3A_50 = arith.constant 0 : i32
        %dma_wait3A_51 = tpu.memref_slice %arg7[%dma_wait3A_49, %dma_wait3A_50] : memref<10240x128xf32, #tpu.memory_space<vmem_shared>> -> memref<400x128xf32, #tpu.memory_space<vmem_shared>>
        %dma_wait3A_52 = arith.constant 9600 : i32
        %dma_wait3A_53 = arith.constant 0 : i32
        %dma_wait3A_54 = tpu.memref_slice %arg5[%dma_wait3A_52, %dma_wait3A_53] : memref<10000x128xf32, #tpu.memory_space<hbm>> -> memref<400x128xf32, #tpu.memory_space<hbm>>
        tpu.wait_dma2 semaphore(%run_scoped3A : memref<!tpu.dma_semaphore, #tpu.memory_space<semaphore_mem>>) src(%dma_wait3A_54 : memref<400x128xf32, #tpu.memory_space<hbm>>) dst(%dma_wait3A_51 : memref<400x128xf32, #tpu.memory_space<vmem_shared>>)
        tpu.yield
      }) : () -> ()
    } else {
    }
    %barrier3A = arith.constant 0 : index
    tpu.barrier barrier_id(%barrier3A)
    %mul3A_27 = arith.constant 16 : i32
    %mul3A_28 = arith.muli %arg0, %mul3A_27 : i32
    %add3A = arith.addi %mul3A_28, %arg1 : i32
    %mul3A_29 = arith.constant 10000 : i32
    %mul3A_30 = arith.muli %add3A, %mul3A_29 : i32
    %scan3A = arith.constant 0 : i32
    %scan3A_31 = arith.constant 0 : i32
    %scan3A_32 = arith.constant 78 : i32
    %scan3A_33 = arith.addi %scan3A_31, %scan3A_32 : i32
    %scan3A_34 = arith.constant 1 : i32
    scf.for %scan3A_43 = %scan3A_31 to %scan3A_33 step %scan3A_34  : i32 {
      %mul3A_44 = arith.constant 128 : i32
      %mul3A_45 = arith.muli %scan3A_43, %mul3A_44 : i32
      %add3A_46 = arith.addi %mul3A_30, %mul3A_45 : i32
      "tpu.region"() ({
        %run_scoped3A = tpu.sem_alloc : memref<!tpu.dma_semaphore, #tpu.memory_space<semaphore_mem>>
        %dma_start3A_53 = tpu.memref_slice %arg2[%add3A_46] : memref<320000xi32, #tpu.memory_space<hbm>> -> memref<128xi32, #tpu.memory_space<hbm>>
        %dma_start3A_54 = tpu.memref_slice %arg2[%add3A_46] : memref<320000xi32, #tpu.memory_space<hbm>> -> memref<128xi32, #tpu.memory_space<hbm>>
        tpu.enqueue_dma source(%dma_start3A_54 : memref<128xi32, #tpu.memory_space<hbm>>) target(%arg8 : memref<128xi32, #tpu.memory_space<vmem>>) target_semaphore(%run_scoped3A : memref<!tpu.dma_semaphore, #tpu.memory_space<semaphore_mem>>)
        %dma_wait3A_55 = tpu.memref_slice %arg2[%add3A_46] : memref<320000xi32, #tpu.memory_space<hbm>> -> memref<128xi32, #tpu.memory_space<hbm>>
        %dma_wait3A_56 = tpu.memref_slice %arg2[%add3A_46] : memref<320000xi32, #tpu.memory_space<hbm>> -> memref<128xi32, #tpu.memory_space<hbm>>
        tpu.wait_dma2 semaphore(%run_scoped3A : memref<!tpu.dma_semaphore, #tpu.memory_space<semaphore_mem>>) src(%dma_wait3A_56 : memref<128xi32, #tpu.memory_space<hbm>>) dst(%arg8 : memref<128xi32, #tpu.memory_space<vmem>>)
        tpu.yield
      }) : () -> ()
      "tpu.region"() ({
        %run_scoped3A = tpu.sem_alloc : memref<!tpu.dma_semaphore, #tpu.memory_space<semaphore_mem>>
        %dma_start3A_53 = tpu.memref_slice %arg3[%add3A_46] : memref<320000xi32, #tpu.memory_space<hbm>> -> memref<128xi32, #tpu.memory_space<hbm>>
        %dma_start3A_54 = tpu.memref_slice %arg3[%add3A_46] : memref<320000xi32, #tpu.memory_space<hbm>> -> memref<128xi32, #tpu.memory_space<hbm>>
        tpu.enqueue_dma source(%dma_start3A_54 : memref<128xi32, #tpu.memory_space<hbm>>) target(%arg9 : memref<128xi32, #tpu.memory_space<vmem>>) target_semaphore(%run_scoped3A : memref<!tpu.dma_semaphore, #tpu.memory_space<semaphore_mem>>)
        %dma_wait3A_55 = tpu.memref_slice %arg3[%add3A_46] : memref<320000xi32, #tpu.memory_space<hbm>> -> memref<128xi32, #tpu.memory_space<hbm>>
        %dma_wait3A_56 = tpu.memref_slice %arg3[%add3A_46] : memref<320000xi32, #tpu.memory_space<hbm>> -> memref<128xi32, #tpu.memory_space<hbm>>
        tpu.wait_dma2 semaphore(%run_scoped3A : memref<!tpu.dma_semaphore, #tpu.memory_space<semaphore_mem>>) src(%dma_wait3A_56 : memref<128xi32, #tpu.memory_space<hbm>>) dst(%arg9 : memref<128xi32, #tpu.memory_space<vmem>>)
        tpu.yield
      }) : () -> ()
      %dma_start3A_47 = arith.constant 0 : i32
      %dma_start3A_48 = arith.constant 0 : i32
      %dma_start3A_49 = tpu.memref_slice %arg4[%dma_start3A_47, %dma_start3A_48] : memref<10000x128xf32, #tpu.memory_space<hbm>> -> memref<10000x128xf32, #tpu.memory_space<hbm>>
      tpu.enqueue_indirect_dma source(%dma_start3A_49 : memref<10000x128xf32, #tpu.memory_space<hbm>>) target(%arg12 : memref<128x128xf32, #tpu.memory_space<vmem>>) offsets(%arg8 : memref<128xi32, #tpu.memory_space<vmem>>) semaphore(%arg14 : memref<!tpu.dma_semaphore, #tpu.memory_space<semaphore_mem>>)
      %dma_wait3A_50 = arith.constant 0 : i32
      %dma_wait3A_51 = arith.constant 0 : i32
      %dma_wait3A_52 = tpu.memref_slice %arg4[%dma_wait3A_50, %dma_wait3A_51] : memref<10000x128xf32, #tpu.memory_space<hbm>> -> memref<10000x128xf32, #tpu.memory_space<hbm>>
      tpu.wait_indirect_dma semaphore(%arg14 : memref<!tpu.dma_semaphore, #tpu.memory_space<semaphore_mem>>) src(%dma_wait3A_52 : memref<10000x128xf32, #tpu.memory_space<hbm>>) dst(%arg12 : memref<128x128xf32, #tpu.memory_space<vmem>>)
      "tpu.region"() ({
        %run_scoped3A = tpu.sem_alloc : memref<!tpu.dma_semaphore, #tpu.memory_space<semaphore_mem>>
        %dma_start3A_53 = arith.constant 0 : i32
        %dma_start3A_54 = arith.constant 0 : i32
        %dma_start3A_55 = tpu.memref_slice %arg7[%dma_start3A_53, %dma_start3A_54] : memref<10240x128xf32, #tpu.memory_space<vmem_shared>> -> memref<10240x128xf32, #tpu.memory_space<vmem_shared>>
        tpu.enqueue_indirect_dma source(%arg12 : memref<128x128xf32, #tpu.memory_space<vmem>>) target(%dma_start3A_55 : memref<10240x128xf32, #tpu.memory_space<vmem_shared>>) offsets(%arg9 : memref<128xi32, #tpu.memory_space<vmem>>) semaphore(%run_scoped3A : memref<!tpu.dma_semaphore, #tpu.memory_space<semaphore_mem>>) {add = true}
        %dma_wait3A_56 = arith.constant 0 : i32
        %dma_wait3A_57 = arith.constant 0 : i32
        %dma_wait3A_58 = tpu.memref_slice %arg7[%dma_wait3A_56, %dma_wait3A_57] : memref<10240x128xf32, #tpu.memory_space<vmem_shared>> -> memref<10240x128xf32, #tpu.memory_space<vmem_shared>>
        tpu.wait_indirect_dma semaphore(%run_scoped3A : memref<!tpu.dma_semaphore, #tpu.memory_space<semaphore_mem>>) src(%arg12 : memref<128x128xf32, #tpu.memory_space<vmem>>) dst(%dma_wait3A_58 : memref<10240x128xf32, #tpu.memory_space<vmem_shared>>)
        tpu.yield
      }) : () -> ()
    }
    %scan3A_35 = arith.constant 78 : i32
    %add3A_36 = arith.constant 9984 : i32
    %add3A_37 = arith.addi %mul3A_30, %add3A_36 : i32
    "tpu.region"() ({
      %run_scoped3A = tpu.sem_alloc : memref<!tpu.dma_semaphore, #tpu.memory_space<semaphore_mem>>
      %dma_start3A_43 = tpu.memref_slice %arg2[%add3A_37] : memref<320000xi32, #tpu.memory_space<hbm>> -> memref<16xi32, #tpu.memory_space<hbm>>
      %dma_start3A_44 = tpu.memref_slice %arg2[%add3A_37] : memref<320000xi32, #tpu.memory_space<hbm>> -> memref<16xi32, #tpu.memory_space<hbm>>
      tpu.enqueue_dma source(%dma_start3A_44 : memref<16xi32, #tpu.memory_space<hbm>>) target(%arg10 : memref<16xi32, #tpu.memory_space<vmem>>) target_semaphore(%run_scoped3A : memref<!tpu.dma_semaphore, #tpu.memory_space<semaphore_mem>>)
      %dma_wait3A_45 = tpu.memref_slice %arg2[%add3A_37] : memref<320000xi32, #tpu.memory_space<hbm>> -> memref<16xi32, #tpu.memory_space<hbm>>
      %dma_wait3A_46 = tpu.memref_slice %arg2[%add3A_37] : memref<320000xi32, #tpu.memory_space<hbm>> -> memref<16xi32, #tpu.memory_space<hbm>>
      tpu.wait_dma2 semaphore(%run_scoped3A : memref<!tpu.dma_semaphore, #tpu.memory_space<semaphore_mem>>) src(%dma_wait3A_46 : memref<16xi32, #tpu.memory_space<hbm>>) dst(%arg10 : memref<16xi32, #tpu.memory_space<vmem>>)
      tpu.yield
    }) : () -> ()
    "tpu.region"() ({
      %run_scoped3A = tpu.sem_alloc : memref<!tpu.dma_semaphore, #tpu.memory_space<semaphore_mem>>
      %dma_start3A_43 = tpu.memref_slice %arg3[%add3A_37] : memref<320000xi32, #tpu.memory_space<hbm>> -> memref<16xi32, #tpu.memory_space<hbm>>
      %dma_start3A_44 = tpu.memref_slice %arg3[%add3A_37] : memref<320000xi32, #tpu.memory_space<hbm>> -> memref<16xi32, #tpu.memory_space<hbm>>
      tpu.enqueue_dma source(%dma_start3A_44 : memref<16xi32, #tpu.memory_space<hbm>>) target(%arg11 : memref<16xi32, #tpu.memory_space<vmem>>) target_semaphore(%run_scoped3A : memref<!tpu.dma_semaphore, #tpu.memory_space<semaphore_mem>>)
      %dma_wait3A_45 = tpu.memref_slice %arg3[%add3A_37] : memref<320000xi32, #tpu.memory_space<hbm>> -> memref<16xi32, #tpu.memory_space<hbm>>
      %dma_wait3A_46 = tpu.memref_slice %arg3[%add3A_37] : memref<320000xi32, #tpu.memory_space<hbm>> -> memref<16xi32, #tpu.memory_space<hbm>>
      tpu.wait_dma2 semaphore(%run_scoped3A : memref<!tpu.dma_semaphore, #tpu.memory_space<semaphore_mem>>) src(%dma_wait3A_46 : memref<16xi32, #tpu.memory_space<hbm>>) dst(%arg11 : memref<16xi32, #tpu.memory_space<vmem>>)
      tpu.yield
    }) : () -> ()
    %dma_start3A = arith.constant 0 : i32
    %dma_start3A_38 = arith.constant 0 : i32
    %dma_start3A_39 = tpu.memref_slice %arg4[%dma_start3A, %dma_start3A_38] : memref<10000x128xf32, #tpu.memory_space<hbm>> -> memref<10000x128xf32, #tpu.memory_space<hbm>>
    tpu.enqueue_indirect_dma source(%dma_start3A_39 : memref<10000x128xf32, #tpu.memory_space<hbm>>) target(%arg13 : memref<16x128xf32, #tpu.memory_space<vmem>>) offsets(%arg10 : memref<16xi32, #tpu.memory_space<vmem>>) semaphore(%arg14 : memref<!tpu.dma_semaphore, #tpu.memory_space<semaphore_mem>>)
    %dma_wait3A = arith.constant 0 : i32
    %dma_wait3A_40 = arith.constant 0 : i32
    %dma_wait3A_41 = tpu.memref_slice %arg4[%dma_wait3A, %dma_wait3A_40] : memref<10000x128xf32, #tpu.memory_space<hbm>> -> memref<10000x128xf32, #tpu.memory_space<hbm>>
    tpu.wait_indirect_dma semaphore(%arg14 : memref<!tpu.dma_semaphore, #tpu.memory_space<semaphore_mem>>) src(%dma_wait3A_41 : memref<10000x128xf32, #tpu.memory_space<hbm>>) dst(%arg13 : memref<16x128xf32, #tpu.memory_space<vmem>>)
    "tpu.region"() ({
      %run_scoped3A = tpu.sem_alloc : memref<!tpu.dma_semaphore, #tpu.memory_space<semaphore_mem>>
      %dma_start3A_43 = arith.constant 0 : i32
      %dma_start3A_44 = arith.constant 0 : i32
      %dma_start3A_45 = tpu.memref_slice %arg7[%dma_start3A_43, %dma_start3A_44] : memref<10240x128xf32, #tpu.memory_space<vmem_shared>> -> memref<10240x128xf32, #tpu.memory_space<vmem_shared>>
      tpu.enqueue_indirect_dma source(%arg13 : memref<16x128xf32, #tpu.memory_space<vmem>>) target(%dma_start3A_45 : memref<10240x128xf32, #tpu.memory_space<vmem_shared>>) offsets(%arg11 : memref<16xi32, #tpu.memory_space<vmem>>) semaphore(%run_scoped3A : memref<!tpu.dma_semaphore, #tpu.memory_space<semaphore_mem>>) {add = true}
      %dma_wait3A_46 = arith.constant 0 : i32
      %dma_wait3A_47 = arith.constant 0 : i32
      %dma_wait3A_48 = tpu.memref_slice %arg7[%dma_wait3A_46, %dma_wait3A_47] : memref<10240x128xf32, #tpu.memory_space<vmem_shared>> -> memref<10240x128xf32, #tpu.memory_space<vmem_shared>>
      tpu.wait_indirect_dma semaphore(%run_scoped3A : memref<!tpu.dma_semaphore, #tpu.memory_space<semaphore_mem>>) src(%arg13 : memref<16x128xf32, #tpu.memory_space<vmem>>) dst(%dma_wait3A_48 : memref<10240x128xf32, #tpu.memory_space<vmem_shared>>)
      tpu.yield
    }) : () -> ()
    %barrier3A_42 = arith.constant 0 : index
    tpu.barrier barrier_id(%barrier3A_42)
    "tpu.region"() ({
      %run_scoped3A = tpu.sem_alloc : memref<!tpu.dma_semaphore, #tpu.memory_space<semaphore_mem>>
      %dma_start3A_43 = arith.constant 0 : i32
      %dma_start3A_44 = tpu.memref_slice %arg6[%arg0, %mul3A_0, %dma_start3A_43] : memref<2x10240x128xf32, #tpu.memory_space<hbm>> -> memref<1x640x128xf32, #tpu.memory_space<hbm>>
      %dma_start3A_45 = tpu.memref_squeeze %dma_start3A_44 : memref<1x640x128xf32, #tpu.memory_space<hbm>> -> memref<640x128xf32, #tpu.memory_space<hbm>>
      %dma_start3A_46 = arith.constant 0 : i32
      %dma_start3A_47 = tpu.memref_slice %arg7[%mul3A_0, %dma_start3A_46] : memref<10240x128xf32, #tpu.memory_space<vmem_shared>> -> memref<640x128xf32, #tpu.memory_space<vmem_shared>>
      tpu.enqueue_dma source(%dma_start3A_47 : memref<640x128xf32, #tpu.memory_space<vmem_shared>>) target(%dma_start3A_45 : memref<640x128xf32, #tpu.memory_space<hbm>>) target_semaphore(%run_scoped3A : memref<!tpu.dma_semaphore, #tpu.memory_space<semaphore_mem>>)
      %dma_wait3A_48 = arith.constant 0 : i32
      %dma_wait3A_49 = tpu.memref_slice %arg6[%arg0, %mul3A_0, %dma_wait3A_48] : memref<2x10240x128xf32, #tpu.memory_space<hbm>> -> memref<1x640x128xf32, #tpu.memory_space<hbm>>
      %dma_wait3A_50 = tpu.memref_squeeze %dma_wait3A_49 : memref<1x640x128xf32, #tpu.memory_space<hbm>> -> memref<640x128xf32, #tpu.memory_space<hbm>>
      %dma_wait3A_51 = arith.constant 0 : i32
      %dma_wait3A_52 = tpu.memref_slice %arg7[%mul3A_0, %dma_wait3A_51] : memref<10240x128xf32, #tpu.memory_space<vmem_shared>> -> memref<640x128xf32, #tpu.memory_space<vmem_shared>>
      tpu.wait_dma2 semaphore(%run_scoped3A : memref<!tpu.dma_semaphore, #tpu.memory_space<semaphore_mem>>) src(%dma_wait3A_52 : memref<640x128xf32, #tpu.memory_space<vmem_shared>>) dst(%dma_wait3A_50 : memref<640x128xf32, #tpu.memory_space<hbm>>)
      tpu.yield
    }) : () -> ()
    return
  }
}

#map = affine_map<(d0, d1) -> (0)>
module attributes {stable_mosaic.version = 14 : i64} {
  func.func @_deg_kernel(%arg0: i32, %arg1: i32, %arg2: memref<320000xi32, #tpu.memory_space<hbm>>, %arg3: memref<10240xf32, #tpu.memory_space<hbm>>, %arg4: memref<20480xf32, #tpu.memory_space<hbm>>, %arg5: memref<10240xf32, #tpu.memory_space<vmem_shared>>, %arg6: memref<128xi32, #tpu.memory_space<vmem>>, %arg7: memref<16xi32, #tpu.memory_space<vmem>>, %arg8: memref<128xf32, #tpu.memory_space<vmem>>, %arg9: memref<16xf32, #tpu.memory_space<vmem>>) attributes {dimension_semantics = [#tpu.dimension_semantics<core_parallel>, #tpu.dimension_semantics<subcore_parallel>], iteration_bounds = array<i64: 2, 16>, scalar_prefetch = 0 : i64, scratch_operands = 5 : i64, tpu.core_type = #tpu.core_type<sc_vector_subcore>, window_params = [{transform_indices = #map}, {transform_indices = #map}, {transform_indices = #map}]} {
    %mul3A = arith.constant 640 : i32
    %mul3A_0 = arith.muli %arg1, %mul3A : i32
    "tpu.region"() ({
      %run_scoped3A = tpu.sem_alloc : memref<!tpu.dma_semaphore, #tpu.memory_space<semaphore_mem>>
      %dma_start3A = tpu.memref_slice %arg5[%mul3A_0] : memref<10240xf32, #tpu.memory_space<vmem_shared>> -> memref<640xf32, #tpu.memory_space<vmem_shared>>
      %dma_start3A_68 = tpu.memref_slice %arg3[%mul3A_0] : memref<10240xf32, #tpu.memory_space<hbm>> -> memref<640xf32, #tpu.memory_space<hbm>>
      tpu.enqueue_dma source(%dma_start3A_68 : memref<640xf32, #tpu.memory_space<hbm>>) target(%dma_start3A : memref<640xf32, #tpu.memory_space<vmem_shared>>) target_semaphore(%run_scoped3A : memref<!tpu.dma_semaphore, #tpu.memory_space<semaphore_mem>>)
      %dma_wait3A = tpu.memref_slice %arg5[%mul3A_0] : memref<10240xf32, #tpu.memory_space<vmem_shared>> -> memref<640xf32, #tpu.memory_space<vmem_shared>>
      %dma_wait3A_69 = tpu.memref_slice %arg3[%mul3A_0] : memref<10240xf32, #tpu.memory_space<hbm>> -> memref<640xf32, #tpu.memory_space<hbm>>
      tpu.wait_dma2 semaphore(%run_scoped3A : memref<!tpu.dma_semaphore, #tpu.memory_space<semaphore_mem>>) src(%dma_wait3A_69 : memref<640xf32, #tpu.memory_space<hbm>>) dst(%dma_wait3A : memref<640xf32, #tpu.memory_space<vmem_shared>>)
      tpu.yield
    }) : () -> ()
    %broadcast_in_dim3A = arith.constant 1.000000e+00 : f32
    %broadcast_in_dim3A_1 = vector.broadcast %broadcast_in_dim3A : f32 to vector<16xf32>
    %swap3A = arith.constant 0 : index
    %swap3A_2 = tpu.vector_load %arg8[%swap3A] {strides = array<i32>} : memref<128xf32, #tpu.memory_space<vmem>>, vector<16xf32>,
    %swap3A_3 = vector.shape_cast %swap3A_2 : vector<16xf32> to vector<16xf32>
    %swap3A_4 = vector.shape_cast %broadcast_in_dim3A_1 : vector<16xf32> to vector<16xf32>
    tpu.vector_store %arg8[%swap3A], %swap3A_4 {strides = array<i32>} : memref<128xf32, #tpu.memory_space<vmem>>, vector<16xf32>,
    %broadcast_in_dim3A_5 = arith.constant 1.000000e+00 : f32
    %broadcast_in_dim3A_6 = vector.broadcast %broadcast_in_dim3A_5 : f32 to vector<16xf32>
    %swap3A_7 = arith.constant 16 : index
    %swap3A_8 = tpu.vector_load %arg8[%swap3A_7] {strides = array<i32>} : memref<128xf32, #tpu.memory_space<vmem>>, vector<16xf32>,
    %swap3A_9 = vector.shape_cast %swap3A_8 : vector<16xf32> to vector<16xf32>
    %swap3A_10 = vector.shape_cast %broadcast_in_dim3A_6 : vector<16xf32> to vector<16xf32>
    tpu.vector_store %arg8[%swap3A_7], %swap3A_10 {strides = array<i32>} : memref<128xf32, #tpu.memory_space<vmem>>, vector<16xf32>,
    %broadcast_in_dim3A_11 = arith.constant 1.000000e+00 : f32
    %broadcast_in_dim3A_12 = vector.broadcast %broadcast_in_dim3A_11 : f32 to vector<16xf32>
    %swap3A_13 = arith.constant 32 : index
    %swap3A_14 = tpu.vector_load %arg8[%swap3A_13] {strides = array<i32>} : memref<128xf32, #tpu.memory_space<vmem>>, vector<16xf32>,
    %swap3A_15 = vector.shape_cast %swap3A_14 : vector<16xf32> to vector<16xf32>
    %swap3A_16 = vector.shape_cast %broadcast_in_dim3A_12 : vector<16xf32> to vector<16xf32>
    tpu.vector_store %arg8[%swap3A_13], %swap3A_16 {strides = array<i32>} : memref<128xf32, #tpu.memory_space<vmem>>, vector<16xf32>,
    %broadcast_in_dim3A_17 = arith.constant 1.000000e+00 : f32
    %broadcast_in_dim3A_18 = vector.broadcast %broadcast_in_dim3A_17 : f32 to vector<16xf32>
    %swap3A_19 = arith.constant 48 : index
    %swap3A_20 = tpu.vector_load %arg8[%swap3A_19] {strides = array<i32>} : memref<128xf32, #tpu.memory_space<vmem>>, vector<16xf32>,
    %swap3A_21 = vector.shape_cast %swap3A_20 : vector<16xf32> to vector<16xf32>
    %swap3A_22 = vector.shape_cast %broadcast_in_dim3A_18 : vector<16xf32> to vector<16xf32>
    tpu.vector_store %arg8[%swap3A_19], %swap3A_22 {strides = array<i32>} : memref<128xf32, #tpu.memory_space<vmem>>, vector<16xf32>,
    %broadcast_in_dim3A_23 = arith.constant 1.000000e+00 : f32
    %broadcast_in_dim3A_24 = vector.broadcast %broadcast_in_dim3A_23 : f32 to vector<16xf32>
    %swap3A_25 = arith.constant 64 : index
    %swap3A_26 = tpu.vector_load %arg8[%swap3A_25] {strides = array<i32>} : memref<128xf32, #tpu.memory_space<vmem>>, vector<16xf32>,
    %swap3A_27 = vector.shape_cast %swap3A_26 : vector<16xf32> to vector<16xf32>
    %swap3A_28 = vector.shape_cast %broadcast_in_dim3A_24 : vector<16xf32> to vector<16xf32>
    tpu.vector_store %arg8[%swap3A_25], %swap3A_28 {strides = array<i32>} : memref<128xf32, #tpu.memory_space<vmem>>, vector<16xf32>,
    %broadcast_in_dim3A_29 = arith.constant 1.000000e+00 : f32
    %broadcast_in_dim3A_30 = vector.broadcast %broadcast_in_dim3A_29 : f32 to vector<16xf32>
    %swap3A_31 = arith.constant 80 : index
    %swap3A_32 = tpu.vector_load %arg8[%swap3A_31] {strides = array<i32>} : memref<128xf32, #tpu.memory_space<vmem>>, vector<16xf32>,
    %swap3A_33 = vector.shape_cast %swap3A_32 : vector<16xf32> to vector<16xf32>
    %swap3A_34 = vector.shape_cast %broadcast_in_dim3A_30 : vector<16xf32> to vector<16xf32>
    tpu.vector_store %arg8[%swap3A_31], %swap3A_34 {strides = array<i32>} : memref<128xf32, #tpu.memory_space<vmem>>, vector<16xf32>,
    %broadcast_in_dim3A_35 = arith.constant 1.000000e+00 : f32
    %broadcast_in_dim3A_36 = vector.broadcast %broadcast_in_dim3A_35 : f32 to vector<16xf32>
    %swap3A_37 = arith.constant 96 : index
    %swap3A_38 = tpu.vector_load %arg8[%swap3A_37] {strides = array<i32>} : memref<128xf32, #tpu.memory_space<vmem>>, vector<16xf32>,
    %swap3A_39 = vector.shape_cast %swap3A_38 : vector<16xf32> to vector<16xf32>
    %swap3A_40 = vector.shape_cast %broadcast_in_dim3A_36 : vector<16xf32> to vector<16xf32>
    tpu.vector_store %arg8[%swap3A_37], %swap3A_40 {strides = array<i32>} : memref<128xf32, #tpu.memory_space<vmem>>, vector<16xf32>,
    %broadcast_in_dim3A_41 = arith.constant 1.000000e+00 : f32
    %broadcast_in_dim3A_42 = vector.broadcast %broadcast_in_dim3A_41 : f32 to vector<16xf32>
    %swap3A_43 = arith.constant 112 : index
    %swap3A_44 = tpu.vector_load %arg8[%swap3A_43] {strides = array<i32>} : memref<128xf32, #tpu.memory_space<vmem>>, vector<16xf32>,
    %swap3A_45 = vector.shape_cast %swap3A_44 : vector<16xf32> to vector<16xf32>
    %swap3A_46 = vector.shape_cast %broadcast_in_dim3A_42 : vector<16xf32> to vector<16xf32>
    tpu.vector_store %arg8[%swap3A_43], %swap3A_46 {strides = array<i32>} : memref<128xf32, #tpu.memory_space<vmem>>, vector<16xf32>,
    %broadcast_in_dim3A_47 = arith.constant 1.000000e+00 : f32
    %broadcast_in_dim3A_48 = vector.broadcast %broadcast_in_dim3A_47 : f32 to vector<16xf32>
    %swap3A_49 = arith.constant 0 : index
    %swap3A_50 = tpu.vector_load %arg9[%swap3A_49] {strides = array<i32>} : memref<16xf32, #tpu.memory_space<vmem>>, vector<16xf32>,
    %swap3A_51 = vector.shape_cast %swap3A_50 : vector<16xf32> to vector<16xf32>
    %swap3A_52 = vector.shape_cast %broadcast_in_dim3A_48 : vector<16xf32> to vector<16xf32>
    tpu.vector_store %arg9[%swap3A_49], %swap3A_52 {strides = array<i32>} : memref<16xf32, #tpu.memory_space<vmem>>, vector<16xf32>,
    %barrier3A = arith.constant 0 : index
    tpu.barrier barrier_id(%barrier3A)
    %mul3A_53 = arith.constant 16 : i32
    %mul3A_54 = arith.muli %arg0, %mul3A_53 : i32
    %add3A = arith.addi %mul3A_54, %arg1 : i32
    %mul3A_55 = arith.constant 10000 : i32
    %mul3A_56 = arith.muli %add3A, %mul3A_55 : i32
    %scan3A = arith.constant 0 : i32
    %scan3A_57 = arith.constant 0 : i32
    %scan3A_58 = arith.constant 78 : i32
    %scan3A_59 = arith.addi %scan3A_57, %scan3A_58 : i32
    %scan3A_60 = arith.constant 1 : i32
    scf.for %scan3A_68 = %scan3A_57 to %scan3A_59 step %scan3A_60  : i32 {
      %mul3A_69 = arith.constant 128 : i32
      %mul3A_70 = arith.muli %scan3A_68, %mul3A_69 : i32
      %add3A_71 = arith.addi %mul3A_56, %mul3A_70 : i32
      "tpu.region"() ({
        %run_scoped3A = tpu.sem_alloc : memref<!tpu.dma_semaphore, #tpu.memory_space<semaphore_mem>>
        %dma_start3A = tpu.memref_slice %arg2[%add3A_71] : memref<320000xi32, #tpu.memory_space<hbm>> -> memref<128xi32, #tpu.memory_space<hbm>>
        %dma_start3A_72 = tpu.memref_slice %arg2[%add3A_71] : memref<320000xi32, #tpu.memory_space<hbm>> -> memref<128xi32, #tpu.memory_space<hbm>>
        tpu.enqueue_dma source(%dma_start3A_72 : memref<128xi32, #tpu.memory_space<hbm>>) target(%arg6 : memref<128xi32, #tpu.memory_space<vmem>>) target_semaphore(%run_scoped3A : memref<!tpu.dma_semaphore, #tpu.memory_space<semaphore_mem>>)
        %dma_wait3A = tpu.memref_slice %arg2[%add3A_71] : memref<320000xi32, #tpu.memory_space<hbm>> -> memref<128xi32, #tpu.memory_space<hbm>>
        %dma_wait3A_73 = tpu.memref_slice %arg2[%add3A_71] : memref<320000xi32, #tpu.memory_space<hbm>> -> memref<128xi32, #tpu.memory_space<hbm>>
        tpu.wait_dma2 semaphore(%run_scoped3A : memref<!tpu.dma_semaphore, #tpu.memory_space<semaphore_mem>>) src(%dma_wait3A_73 : memref<128xi32, #tpu.memory_space<hbm>>) dst(%arg6 : memref<128xi32, #tpu.memory_space<vmem>>)
        tpu.yield
      }) : () -> ()
      "tpu.region"() ({
        %run_scoped3A = tpu.sem_alloc : memref<!tpu.dma_semaphore, #tpu.memory_space<semaphore_mem>>
        %dma_start3A = arith.constant 0 : i32
        %dma_start3A_72 = tpu.memref_slice %arg5[%dma_start3A] : memref<10240xf32, #tpu.memory_space<vmem_shared>> -> memref<10240xf32, #tpu.memory_space<vmem_shared>>
        tpu.enqueue_indirect_dma source(%arg8 : memref<128xf32, #tpu.memory_space<vmem>>) target(%dma_start3A_72 : memref<10240xf32, #tpu.memory_space<vmem_shared>>) offsets(%arg6 : memref<128xi32, #tpu.memory_space<vmem>>) semaphore(%run_scoped3A : memref<!tpu.dma_semaphore, #tpu.memory_space<semaphore_mem>>) {add = true}
        %dma_wait3A = arith.constant 0 : i32
        %dma_wait3A_73 = tpu.memref_slice %arg5[%dma_wait3A] : memref<10240xf32, #tpu.memory_space<vmem_shared>> -> memref<10240xf32, #tpu.memory_space<vmem_shared>>
        tpu.wait_indirect_dma semaphore(%run_scoped3A : memref<!tpu.dma_semaphore, #tpu.memory_space<semaphore_mem>>) src(%arg8 : memref<128xf32, #tpu.memory_space<vmem>>) dst(%dma_wait3A_73 : memref<10240xf32, #tpu.memory_space<vmem_shared>>)
        tpu.yield
      }) : () -> ()
    }
    %scan3A_61 = arith.constant 78 : i32
    %add3A_62 = arith.constant 9984 : i32
    %add3A_63 = arith.addi %mul3A_56, %add3A_62 : i32
    "tpu.region"() ({
      %run_scoped3A = tpu.sem_alloc : memref<!tpu.dma_semaphore, #tpu.memory_space<semaphore_mem>>
      %dma_start3A = tpu.memref_slice %arg2[%add3A_63] : memref<320000xi32, #tpu.memory_space<hbm>> -> memref<16xi32, #tpu.memory_space<hbm>>
      %dma_start3A_68 = tpu.memref_slice %arg2[%add3A_63] : memref<320000xi32, #tpu.memory_space<hbm>> -> memref<16xi32, #tpu.memory_space<hbm>>
      tpu.enqueue_dma source(%dma_start3A_68 : memref<16xi32, #tpu.memory_space<hbm>>) target(%arg7 : memref<16xi32, #tpu.memory_space<vmem>>) target_semaphore(%run_scoped3A : memref<!tpu.dma_semaphore, #tpu.memory_space<semaphore_mem>>)
      %dma_wait3A = tpu.memref_slice %arg2[%add3A_63] : memref<320000xi32, #tpu.memory_space<hbm>> -> memref<16xi32, #tpu.memory_space<hbm>>
      %dma_wait3A_69 = tpu.memref_slice %arg2[%add3A_63] : memref<320000xi32, #tpu.memory_space<hbm>> -> memref<16xi32, #tpu.memory_space<hbm>>
      tpu.wait_dma2 semaphore(%run_scoped3A : memref<!tpu.dma_semaphore, #tpu.memory_space<semaphore_mem>>) src(%dma_wait3A_69 : memref<16xi32, #tpu.memory_space<hbm>>) dst(%arg7 : memref<16xi32, #tpu.memory_space<vmem>>)
      tpu.yield
    }) : () -> ()
    "tpu.region"() ({
      %run_scoped3A = tpu.sem_alloc : memref<!tpu.dma_semaphore, #tpu.memory_space<semaphore_mem>>
      %dma_start3A = arith.constant 0 : i32
      %dma_start3A_68 = tpu.memref_slice %arg5[%dma_start3A] : memref<10240xf32, #tpu.memory_space<vmem_shared>> -> memref<10240xf32, #tpu.memory_space<vmem_shared>>
      tpu.enqueue_indirect_dma source(%arg9 : memref<16xf32, #tpu.memory_space<vmem>>) target(%dma_start3A_68 : memref<10240xf32, #tpu.memory_space<vmem_shared>>) offsets(%arg7 : memref<16xi32, #tpu.memory_space<vmem>>) semaphore(%run_scoped3A : memref<!tpu.dma_semaphore, #tpu.memory_space<semaphore_mem>>) {add = true}
      %dma_wait3A = arith.constant 0 : i32
      %dma_wait3A_69 = tpu.memref_slice %arg5[%dma_wait3A] : memref<10240xf32, #tpu.memory_space<vmem_shared>> -> memref<10240xf32, #tpu.memory_space<vmem_shared>>
      tpu.wait_indirect_dma semaphore(%run_scoped3A : memref<!tpu.dma_semaphore, #tpu.memory_space<semaphore_mem>>) src(%arg9 : memref<16xf32, #tpu.memory_space<vmem>>) dst(%dma_wait3A_69 : memref<10240xf32, #tpu.memory_space<vmem_shared>>)
      tpu.yield
    }) : () -> ()
    %barrier3A_64 = arith.constant 0 : index
    tpu.barrier barrier_id(%barrier3A_64)
    %mul3A_65 = arith.constant 10240 : i32
    %mul3A_66 = arith.muli %arg0, %mul3A_65 : i32
    %add3A_67 = arith.addi %mul3A_66, %mul3A_0 : i32
    "tpu.region"() ({
      %run_scoped3A = tpu.sem_alloc : memref<!tpu.dma_semaphore, #tpu.memory_space<semaphore_mem>>
      %dma_start3A = tpu.memref_slice %arg4[%add3A_67] : memref<20480xf32, #tpu.memory_space<hbm>> -> memref<640xf32, #tpu.memory_space<hbm>>
      %dma_start3A_68 = tpu.memref_slice %arg5[%mul3A_0] : memref<10240xf32, #tpu.memory_space<vmem_shared>> -> memref<640xf32, #tpu.memory_space<vmem_shared>>
      tpu.enqueue_dma source(%dma_start3A_68 : memref<640xf32, #tpu.memory_space<vmem_shared>>) target(%dma_start3A : memref<640xf32, #tpu.memory_space<hbm>>) target_semaphore(%run_scoped3A : memref<!tpu.dma_semaphore, #tpu.memory_space<semaphore_mem>>)
      %dma_wait3A = tpu.memref_slice %arg4[%add3A_67] : memref<20480xf32, #tpu.memory_space<hbm>> -> memref<640xf32, #tpu.memory_space<hbm>>
      %dma_wait3A_69 = tpu.memref_slice %arg5[%mul3A_0] : memref<10240xf32, #tpu.memory_space<vmem_shared>> -> memref<640xf32, #tpu.memory_space<vmem_shared>>
      tpu.wait_dma2 semaphore(%run_scoped3A : memref<!tpu.dma_semaphore, #tpu.memory_space<semaphore_mem>>) src(%dma_wait3A_69 : memref<640xf32, #tpu.memory_space<vmem_shared>>) dst(%dma_wait3A : memref<640xf32, #tpu.memory_space<hbm>>)
      tpu.yield
    }) : () -> ()
    return
  }
}

#map = affine_map<(d0, d1) -> (0, 0)>
#map1 = affine_map<(d0, d1) -> (0)>
module attributes {stable_mosaic.version = 14 : i64} {
  func.func @_headgather_kernel(%arg0: i32, %arg1: i32, %arg2: memref<10000x128xf32, #tpu.memory_space<hbm>>, %arg3: memref<10240xi32, #tpu.memory_space<hbm>>, %arg4: memref<10240x128xf32, #tpu.memory_space<hbm>>, %arg5: memref<128xi32, #tpu.memory_space<vmem>>, %arg6: memref<64xi32, #tpu.memory_space<vmem>>, %arg7: memref<128x128xf32, #tpu.memory_space<vmem>>, %arg8: memref<64x128xf32, #tpu.memory_space<vmem>>, %arg9: memref<!tpu.dma_semaphore, #tpu.memory_space<semaphore_mem>>) attributes {dimension_semantics = [#tpu.dimension_semantics<core_parallel>, #tpu.dimension_semantics<subcore_parallel>], iteration_bounds = array<i64: 2, 16>, scalar_prefetch = 0 : i64, scratch_operands = 5 : i64, tpu.core_type = #tpu.core_type<sc_vector_subcore>, window_params = [{transform_indices = #map}, {transform_indices = #map1}, {transform_indices = #map}]} {
    %mul3A = arith.constant 16 : i32
    %mul3A_0 = arith.muli %arg0, %mul3A : i32
    %add3A = arith.addi %mul3A_0, %arg1 : i32
    %mul3A_1 = arith.constant 320 : i32
    %mul3A_2 = arith.muli %add3A, %mul3A_1 : i32
    %add3A_3 = arith.constant 0 : i32
    %add3A_4 = arith.addi %mul3A_2, %add3A_3 : i32
    "tpu.region"() ({
      %run_scoped3A = tpu.sem_alloc : memref<!tpu.dma_semaphore, #tpu.memory_space<semaphore_mem>>
      %dma_start3A_31 = tpu.memref_slice %arg3[%add3A_4] : memref<10240xi32, #tpu.memory_space<hbm>> -> memref<128xi32, #tpu.memory_space<hbm>>
      %dma_start3A_32 = tpu.memref_slice %arg3[%add3A_4] : memref<10240xi32, #tpu.memory_space<hbm>> -> memref<128xi32, #tpu.memory_space<hbm>>
      tpu.enqueue_dma source(%dma_start3A_32 : memref<128xi32, #tpu.memory_space<hbm>>) target(%arg5 : memref<128xi32, #tpu.memory_space<vmem>>) target_semaphore(%run_scoped3A : memref<!tpu.dma_semaphore, #tpu.memory_space<semaphore_mem>>)
      %dma_wait3A_33 = tpu.memref_slice %arg3[%add3A_4] : memref<10240xi32, #tpu.memory_space<hbm>> -> memref<128xi32, #tpu.memory_space<hbm>>
      %dma_wait3A_34 = tpu.memref_slice %arg3[%add3A_4] : memref<10240xi32, #tpu.memory_space<hbm>> -> memref<128xi32, #tpu.memory_space<hbm>>
      tpu.wait_dma2 semaphore(%run_scoped3A : memref<!tpu.dma_semaphore, #tpu.memory_space<semaphore_mem>>) src(%dma_wait3A_34 : memref<128xi32, #tpu.memory_space<hbm>>) dst(%arg5 : memref<128xi32, #tpu.memory_space<vmem>>)
      tpu.yield
    }) : () -> ()
    %dma_start3A = arith.constant 0 : i32
    %dma_start3A_5 = arith.constant 0 : i32
    %dma_start3A_6 = tpu.memref_slice %arg2[%dma_start3A, %dma_start3A_5] : memref<10000x128xf32, #tpu.memory_space<hbm>> -> memref<10000x128xf32, #tpu.memory_space<hbm>>
    tpu.enqueue_indirect_dma source(%dma_start3A_6 : memref<10000x128xf32, #tpu.memory_space<hbm>>) target(%arg7 : memref<128x128xf32, #tpu.memory_space<vmem>>) offsets(%arg5 : memref<128xi32, #tpu.memory_space<vmem>>) semaphore(%arg9 : memref<!tpu.dma_semaphore, #tpu.memory_space<semaphore_mem>>)
    %dma_wait3A = arith.constant 0 : i32
    %dma_wait3A_7 = arith.constant 0 : i32
    %dma_wait3A_8 = tpu.memref_slice %arg2[%dma_wait3A, %dma_wait3A_7] : memref<10000x128xf32, #tpu.memory_space<hbm>> -> memref<10000x128xf32, #tpu.memory_space<hbm>>
    tpu.wait_indirect_dma semaphore(%arg9 : memref<!tpu.dma_semaphore, #tpu.memory_space<semaphore_mem>>) src(%dma_wait3A_8 : memref<10000x128xf32, #tpu.memory_space<hbm>>) dst(%arg7 : memref<128x128xf32, #tpu.memory_space<vmem>>)
    %add3A_9 = arith.constant 0 : i32
    %add3A_10 = arith.addi %mul3A_2, %add3A_9 : i32
    "tpu.region"() ({
      %run_scoped3A = tpu.sem_alloc : memref<!tpu.dma_semaphore, #tpu.memory_space<semaphore_mem>>
      %dma_start3A_31 = arith.constant 0 : i32
      %dma_start3A_32 = tpu.memref_slice %arg4[%add3A_10, %dma_start3A_31] : memref<10240x128xf32, #tpu.memory_space<hbm>> -> memref<128x128xf32, #tpu.memory_space<hbm>>
      %dma_start3A_33 = arith.constant 0 : i32
      %dma_start3A_34 = tpu.memref_slice %arg4[%add3A_10, %dma_start3A_33] : memref<10240x128xf32, #tpu.memory_space<hbm>> -> memref<128x128xf32, #tpu.memory_space<hbm>>
      tpu.enqueue_dma source(%arg7 : memref<128x128xf32, #tpu.memory_space<vmem>>) target(%dma_start3A_34 : memref<128x128xf32, #tpu.memory_space<hbm>>) target_semaphore(%run_scoped3A : memref<!tpu.dma_semaphore, #tpu.memory_space<semaphore_mem>>)
      %dma_wait3A_35 = arith.constant 0 : i32
      %dma_wait3A_36 = tpu.memref_slice %arg4[%add3A_10, %dma_wait3A_35] : memref<10240x128xf32, #tpu.memory_space<hbm>> -> memref<128x128xf32, #tpu.memory_space<hbm>>
      %dma_wait3A_37 = arith.constant 0 : i32
      %dma_wait3A_38 = tpu.memref_slice %arg4[%add3A_10, %dma_wait3A_37] : memref<10240x128xf32, #tpu.memory_space<hbm>> -> memref<128x128xf32, #tpu.memory_space<hbm>>
      tpu.wait_dma2 semaphore(%run_scoped3A : memref<!tpu.dma_semaphore, #tpu.memory_space<semaphore_mem>>) src(%arg7 : memref<128x128xf32, #tpu.memory_space<vmem>>) dst(%dma_wait3A_38 : memref<128x128xf32, #tpu.memory_space<hbm>>)
      tpu.yield
    }) : () -> ()
    %add3A_11 = arith.constant 128 : i32
    %add3A_12 = arith.addi %mul3A_2, %add3A_11 : i32
    "tpu.region"() ({
      %run_scoped3A = tpu.sem_alloc : memref<!tpu.dma_semaphore, #tpu.memory_space<semaphore_mem>>
      %dma_start3A_31 = tpu.memref_slice %arg3[%add3A_12] : memref<10240xi32, #tpu.memory_space<hbm>> -> memref<128xi32, #tpu.memory_space<hbm>>
      %dma_start3A_32 = tpu.memref_slice %arg3[%add3A_12] : memref<10240xi32, #tpu.memory_space<hbm>> -> memref<128xi32, #tpu.memory_space<hbm>>
      tpu.enqueue_dma source(%dma_start3A_32 : memref<128xi32, #tpu.memory_space<hbm>>) target(%arg5 : memref<128xi32, #tpu.memory_space<vmem>>) target_semaphore(%run_scoped3A : memref<!tpu.dma_semaphore, #tpu.memory_space<semaphore_mem>>)
      %dma_wait3A_33 = tpu.memref_slice %arg3[%add3A_12] : memref<10240xi32, #tpu.memory_space<hbm>> -> memref<128xi32, #tpu.memory_space<hbm>>
      %dma_wait3A_34 = tpu.memref_slice %arg3[%add3A_12] : memref<10240xi32, #tpu.memory_space<hbm>> -> memref<128xi32, #tpu.memory_space<hbm>>
      tpu.wait_dma2 semaphore(%run_scoped3A : memref<!tpu.dma_semaphore, #tpu.memory_space<semaphore_mem>>) src(%dma_wait3A_34 : memref<128xi32, #tpu.memory_space<hbm>>) dst(%arg5 : memref<128xi32, #tpu.memory_space<vmem>>)
      tpu.yield
    }) : () -> ()
    %dma_start3A_13 = arith.constant 0 : i32
    %dma_start3A_14 = arith.constant 0 : i32
    %dma_start3A_15 = tpu.memref_slice %arg2[%dma_start3A_13, %dma_start3A_14] : memref<10000x128xf32, #tpu.memory_space<hbm>> -> memref<10000x128xf32, #tpu.memory_space<hbm>>
    tpu.enqueue_indirect_dma source(%dma_start3A_15 : memref<10000x128xf32, #tpu.memory_space<hbm>>) target(%arg7 : memref<128x128xf32, #tpu.memory_space<vmem>>) offsets(%arg5 : memref<128xi32, #tpu.memory_space<vmem>>) semaphore(%arg9 : memref<!tpu.dma_semaphore, #tpu.memory_space<semaphore_mem>>)
    %dma_wait3A_16 = arith.constant 0 : i32
    %dma_wait3A_17 = arith.constant 0 : i32
    %dma_wait3A_18 = tpu.memref_slice %arg2[%dma_wait3A_16, %dma_wait3A_17] : memref<10000x128xf32, #tpu.memory_space<hbm>> -> memref<10000x128xf32, #tpu.memory_space<hbm>>
    tpu.wait_indirect_dma semaphore(%arg9 : memref<!tpu.dma_semaphore, #tpu.memory_space<semaphore_mem>>) src(%dma_wait3A_18 : memref<10000x128xf32, #tpu.memory_space<hbm>>) dst(%arg7 : memref<128x128xf32, #tpu.memory_space<vmem>>)
    %add3A_19 = arith.constant 128 : i32
    %add3A_20 = arith.addi %mul3A_2, %add3A_19 : i32
    "tpu.region"() ({
      %run_scoped3A = tpu.sem_alloc : memref<!tpu.dma_semaphore, #tpu.memory_space<semaphore_mem>>
      %dma_start3A_31 = arith.constant 0 : i32
      %dma_start3A_32 = tpu.memref_slice %arg4[%add3A_20, %dma_start3A_31] : memref<10240x128xf32, #tpu.memory_space<hbm>> -> memref<128x128xf32, #tpu.memory_space<hbm>>
      %dma_start3A_33 = arith.constant 0 : i32
      %dma_start3A_34 = tpu.memref_slice %arg4[%add3A_20, %dma_start3A_33] : memref<10240x128xf32, #tpu.memory_space<hbm>> -> memref<128x128xf32, #tpu.memory_space<hbm>>
      tpu.enqueue_dma source(%arg7 : memref<128x128xf32, #tpu.memory_space<vmem>>) target(%dma_start3A_34 : memref<128x128xf32, #tpu.memory_space<hbm>>) target_semaphore(%run_scoped3A : memref<!tpu.dma_semaphore, #tpu.memory_space<semaphore_mem>>)
      %dma_wait3A_35 = arith.constant 0 : i32
      %dma_wait3A_36 = tpu.memref_slice %arg4[%add3A_20, %dma_wait3A_35] : memref<10240x128xf32, #tpu.memory_space<hbm>> -> memref<128x128xf32, #tpu.memory_space<hbm>>
      %dma_wait3A_37 = arith.constant 0 : i32
      %dma_wait3A_38 = tpu.memref_slice %arg4[%add3A_20, %dma_wait3A_37] : memref<10240x128xf32, #tpu.memory_space<hbm>> -> memref<128x128xf32, #tpu.memory_space<hbm>>
      tpu.wait_dma2 semaphore(%run_scoped3A : memref<!tpu.dma_semaphore, #tpu.memory_space<semaphore_mem>>) src(%arg7 : memref<128x128xf32, #tpu.memory_space<vmem>>) dst(%dma_wait3A_38 : memref<128x128xf32, #tpu.memory_space<hbm>>)
      tpu.yield
    }) : () -> ()
    %add3A_21 = arith.constant 256 : i32
    %add3A_22 = arith.addi %mul3A_2, %add3A_21 : i32
    "tpu.region"() ({
      %run_scoped3A = tpu.sem_alloc : memref<!tpu.dma_semaphore, #tpu.memory_space<semaphore_mem>>
      %dma_start3A_31 = tpu.memref_slice %arg3[%add3A_22] : memref<10240xi32, #tpu.memory_space<hbm>> -> memref<64xi32, #tpu.memory_space<hbm>>
      %dma_start3A_32 = tpu.memref_slice %arg3[%add3A_22] : memref<10240xi32, #tpu.memory_space<hbm>> -> memref<64xi32, #tpu.memory_space<hbm>>
      tpu.enqueue_dma source(%dma_start3A_32 : memref<64xi32, #tpu.memory_space<hbm>>) target(%arg6 : memref<64xi32, #tpu.memory_space<vmem>>) target_semaphore(%run_scoped3A : memref<!tpu.dma_semaphore, #tpu.memory_space<semaphore_mem>>)
      %dma_wait3A_33 = tpu.memref_slice %arg3[%add3A_22] : memref<10240xi32, #tpu.memory_space<hbm>> -> memref<64xi32, #tpu.memory_space<hbm>>
      %dma_wait3A_34 = tpu.memref_slice %arg3[%add3A_22] : memref<10240xi32, #tpu.memory_space<hbm>> -> memref<64xi32, #tpu.memory_space<hbm>>
      tpu.wait_dma2 semaphore(%run_scoped3A : memref<!tpu.dma_semaphore, #tpu.memory_space<semaphore_mem>>) src(%dma_wait3A_34 : memref<64xi32, #tpu.memory_space<hbm>>) dst(%arg6 : memref<64xi32, #tpu.memory_space<vmem>>)
      tpu.yield
    }) : () -> ()
    %dma_start3A_23 = arith.constant 0 : i32
    %dma_start3A_24 = arith.constant 0 : i32
    %dma_start3A_25 = tpu.memref_slice %arg2[%dma_start3A_23, %dma_start3A_24] : memref<10000x128xf32, #tpu.memory_space<hbm>> -> memref<10000x128xf32, #tpu.memory_space<hbm>>
    tpu.enqueue_indirect_dma source(%dma_start3A_25 : memref<10000x128xf32, #tpu.memory_space<hbm>>) target(%arg8 : memref<64x128xf32, #tpu.memory_space<vmem>>) offsets(%arg6 : memref<64xi32, #tpu.memory_space<vmem>>) semaphore(%arg9 : memref<!tpu.dma_semaphore, #tpu.memory_space<semaphore_mem>>)
    %dma_wait3A_26 = arith.constant 0 : i32
    %dma_wait3A_27 = arith.constant 0 : i32
    %dma_wait3A_28 = tpu.memref_slice %arg2[%dma_wait3A_26, %dma_wait3A_27] : memref<10000x128xf32, #tpu.memory_space<hbm>> -> memref<10000x128xf32, #tpu.memory_space<hbm>>
    tpu.wait_indirect_dma semaphore(%arg9 : memref<!tpu.dma_semaphore, #tpu.memory_space<semaphore_mem>>) src(%dma_wait3A_28 : memref<10000x128xf32, #tpu.memory_space<hbm>>) dst(%arg8 : memref<64x128xf32, #tpu.memory_space<vmem>>)
    %add3A_29 = arith.constant 256 : i32
    %add3A_30 = arith.addi %mul3A_2, %add3A_29 : i32
    "tpu.region"() ({
      %run_scoped3A = tpu.sem_alloc : memref<!tpu.dma_semaphore, #tpu.memory_space<semaphore_mem>>
      %dma_start3A_31 = arith.constant 0 : i32
      %dma_start3A_32 = tpu.memref_slice %arg4[%add3A_30, %dma_start3A_31] : memref<10240x128xf32, #tpu.memory_space<hbm>> -> memref<64x128xf32, #tpu.memory_space<hbm>>
      %dma_start3A_33 = arith.constant 0 : i32
      %dma_start3A_34 = tpu.memref_slice %arg4[%add3A_30, %dma_start3A_33] : memref<10240x128xf32, #tpu.memory_space<hbm>> -> memref<64x128xf32, #tpu.memory_space<hbm>>
      tpu.enqueue_dma source(%arg8 : memref<64x128xf32, #tpu.memory_space<vmem>>) target(%dma_start3A_34 : memref<64x128xf32, #tpu.memory_space<hbm>>) target_semaphore(%run_scoped3A : memref<!tpu.dma_semaphore, #tpu.memory_space<semaphore_mem>>)
      %dma_wait3A_35 = arith.constant 0 : i32
      %dma_wait3A_36 = tpu.memref_slice %arg4[%add3A_30, %dma_wait3A_35] : memref<10240x128xf32, #tpu.memory_space<hbm>> -> memref<64x128xf32, #tpu.memory_space<hbm>>
      %dma_wait3A_37 = arith.constant 0 : i32
      %dma_wait3A_38 = tpu.memref_slice %arg4[%add3A_30, %dma_wait3A_37] : memref<10240x128xf32, #tpu.memory_space<hbm>> -> memref<64x128xf32, #tpu.memory_space<hbm>>
      tpu.wait_dma2 semaphore(%run_scoped3A : memref<!tpu.dma_semaphore, #tpu.memory_space<semaphore_mem>>) src(%arg8 : memref<64x128xf32, #tpu.memory_space<vmem>>) dst(%dma_wait3A_38 : memref<64x128xf32, #tpu.memory_space<hbm>>)
      tpu.yield
    }) : () -> ()
    return
  }
}

#map = affine_map<(d0, d1) -> (0)>
#map1 = affine_map<(d0, d1) -> (0, 0)>
#map2 = affine_map<(d0, d1) -> (0, 0, 0)>
module attributes {stable_mosaic.version = 14 : i64} {
  func.func @_scatter_kernel(%arg0: i32, %arg1: i32, %arg2: memref<320000xi32, #tpu.memory_space<hbm>>, %arg3: memref<320000xi32, #tpu.memory_space<hbm>>, %arg4: memref<10000x128xf32, #tpu.memory_space<hbm>>, %arg5: memref<10000x128xf32, #tpu.memory_space<hbm>>, %arg6: memref<2x10240x128xf32, #tpu.memory_space<hbm>>, %arg7: memref<10240x128xf32, #tpu.memory_space<vmem_shared>>, %arg8: memref<128xi32, #tpu.memory_space<vmem>>, %arg9: memref<128xi32, #tpu.memory_space<vmem>>, %arg10: memref<16xi32, #tpu.memory_space<vmem>>, %arg11: memref<16xi32, #tpu.memory_space<vmem>>, %arg12: memref<128x128xf32, #tpu.memory_space<vmem>>, %arg13: memref<16x128xf32, #tpu.memory_space<vmem>>, %arg14: memref<!tpu.dma_semaphore, #tpu.memory_space<semaphore_mem>>) attributes {dimension_semantics = [#tpu.dimension_semantics<core_parallel>, #tpu.dimension_semantics<subcore_parallel>], iteration_bounds = array<i64: 2, 16>, scalar_prefetch = 0 : i64, scratch_operands = 8 : i64, tpu.core_type = #tpu.core_type<sc_vector_subcore>, window_params = [{transform_indices = #map}, {transform_indices = #map}, {transform_indices = #map1}, {transform_indices = #map1}, {transform_indices = #map2}]} {
    %mul3A = arith.constant 640 : i32
    %mul3A_0 = arith.muli %arg1, %mul3A : i32
    %eq3A = arith.constant 0 : i32
    %eq3A_1 = arith.cmpi eq, %arg0, %eq3A : i32
    %lt3A = arith.constant 15 : i32
    %lt3A_2 = arith.cmpi slt, %arg1, %lt3A : i32
    %and3A = arith.andi %eq3A_1, %lt3A_2 : i1
    %convert_element_type3A = arith.extui %and3A : i1 to i32
    %cond3A = arith.constant 0 : i32
    %cond3A_3 = arith.cmpi ne, %convert_element_type3A, %cond3A : i32
    scf.if %cond3A_3 {
      "tpu.region"() ({
        %run_scoped3A = tpu.sem_alloc : memref<!tpu.dma_semaphore, #tpu.memory_space<semaphore_mem>>
        %dma_start3A_43 = arith.constant 0 : i32
        %dma_start3A_44 = tpu.memref_slice %arg7[%mul3A_0, %dma_start3A_43] : memref<10240x128xf32, #tpu.memory_space<vmem_shared>> -> memref<640x128xf32, #tpu.memory_space<vmem_shared>>
        %dma_start3A_45 = arith.constant 0 : i32
        %dma_start3A_46 = tpu.memref_slice %arg4[%mul3A_0, %dma_start3A_45] : memref<10000x128xf32, #tpu.memory_space<hbm>> -> memref<640x128xf32, #tpu.memory_space<hbm>>
        tpu.enqueue_dma source(%dma_start3A_46 : memref<640x128xf32, #tpu.memory_space<hbm>>) target(%dma_start3A_44 : memref<640x128xf32, #tpu.memory_space<vmem_shared>>) target_semaphore(%run_scoped3A : memref<!tpu.dma_semaphore, #tpu.memory_space<semaphore_mem>>)
        %dma_wait3A_47 = arith.constant 0 : i32
        %dma_wait3A_48 = tpu.memref_slice %arg7[%mul3A_0, %dma_wait3A_47] : memref<10240x128xf32, #tpu.memory_space<vmem_shared>> -> memref<640x128xf32, #tpu.memory_space<vmem_shared>>
        %dma_wait3A_49 = arith.constant 0 : i32
        %dma_wait3A_50 = tpu.memref_slice %arg4[%mul3A_0, %dma_wait3A_49] : memref<10000x128xf32, #tpu.memory_space<hbm>> -> memref<640x128xf32, #tpu.memory_space<hbm>>
        tpu.wait_dma2 semaphore(%run_scoped3A : memref<!tpu.dma_semaphore, #tpu.memory_space<semaphore_mem>>) src(%dma_wait3A_50 : memref<640x128xf32, #tpu.memory_space<hbm>>) dst(%dma_wait3A_48 : memref<640x128xf32, #tpu.memory_space<vmem_shared>>)
        tpu.yield
      }) : () -> ()
    } else {
    }
    %eq3A_4 = arith.constant 0 : i32
    %eq3A_5 = arith.cmpi eq, %arg0, %eq3A_4 : i32
    %eq3A_6 = arith.constant 15 : i32
    %eq3A_7 = arith.cmpi eq, %arg1, %eq3A_6 : i32
    %and3A_8 = arith.andi %eq3A_5, %eq3A_7 : i1
    %convert_element_type3A_9 = arith.extui %and3A_8 : i1 to i32
    %cond3A_10 = arith.constant 0 : i32
    %cond3A_11 = arith.cmpi ne, %convert_element_type3A_9, %cond3A_10 : i32
    scf.if %cond3A_11 {
      "tpu.region"() ({
        %run_scoped3A = tpu.sem_alloc : memref<!tpu.dma_semaphore, #tpu.memory_space<semaphore_mem>>
        %dma_start3A_43 = arith.constant 9600 : i32
        %dma_start3A_44 = arith.constant 0 : i32
        %dma_start3A_45 = tpu.memref_slice %arg7[%dma_start3A_43, %dma_start3A_44] : memref<10240x128xf32, #tpu.memory_space<vmem_shared>> -> memref<400x128xf32, #tpu.memory_space<vmem_shared>>
        %dma_start3A_46 = arith.constant 9600 : i32
        %dma_start3A_47 = arith.constant 0 : i32
        %dma_start3A_48 = tpu.memref_slice %arg4[%dma_start3A_46, %dma_start3A_47] : memref<10000x128xf32, #tpu.memory_space<hbm>> -> memref<400x128xf32, #tpu.memory_space<hbm>>
        tpu.enqueue_dma source(%dma_start3A_48 : memref<400x128xf32, #tpu.memory_space<hbm>>) target(%dma_start3A_45 : memref<400x128xf32, #tpu.memory_space<vmem_shared>>) target_semaphore(%run_scoped3A : memref<!tpu.dma_semaphore, #tpu.memory_space<semaphore_mem>>)
        %dma_wait3A_49 = arith.constant 9600 : i32
        %dma_wait3A_50 = arith.constant 0 : i32
        %dma_wait3A_51 = tpu.memref_slice %arg7[%dma_wait3A_49, %dma_wait3A_50] : memref<10240x128xf32, #tpu.memory_space<vmem_shared>> -> memref<400x128xf32, #tpu.memory_space<vmem_shared>>
        %dma_wait3A_52 = arith.constant 9600 : i32
        %dma_wait3A_53 = arith.constant 0 : i32
        %dma_wait3A_54 = tpu.memref_slice %arg4[%dma_wait3A_52, %dma_wait3A_53] : memref<10000x128xf32, #tpu.memory_space<hbm>> -> memref<400x128xf32, #tpu.memory_space<hbm>>
        tpu.wait_dma2 semaphore(%run_scoped3A : memref<!tpu.dma_semaphore, #tpu.memory_space<semaphore_mem>>) src(%dma_wait3A_54 : memref<400x128xf32, #tpu.memory_space<hbm>>) dst(%dma_wait3A_51 : memref<400x128xf32, #tpu.memory_space<vmem_shared>>)
        tpu.yield
      }) : () -> ()
    } else {
    }
    %ne3A = arith.constant 0 : i32
    %ne3A_12 = arith.cmpi ne, %arg0, %ne3A : i32
    %lt3A_13 = arith.constant 15 : i32
    %lt3A_14 = arith.cmpi slt, %arg1, %lt3A_13 : i32
    %and3A_15 = arith.andi %ne3A_12, %lt3A_14 : i1
    %convert_element_type3A_16 = arith.extui %and3A_15 : i1 to i32
    %cond3A_17 = arith.constant 0 : i32
    %cond3A_18 = arith.cmpi ne, %convert_element_type3A_16, %cond3A_17 : i32
    scf.if %cond3A_18 {
      "tpu.region"() ({
        %run_scoped3A = tpu.sem_alloc : memref<!tpu.dma_semaphore, #tpu.memory_space<semaphore_mem>>
        %dma_start3A_43 = arith.constant 0 : i32
        %dma_start3A_44 = tpu.memref_slice %arg7[%mul3A_0, %dma_start3A_43] : memref<10240x128xf32, #tpu.memory_space<vmem_shared>> -> memref<640x128xf32, #tpu.memory_space<vmem_shared>>
        %dma_start3A_45 = arith.constant 0 : i32
        %dma_start3A_46 = tpu.memref_slice %arg5[%mul3A_0, %dma_start3A_45] : memref<10000x128xf32, #tpu.memory_space<hbm>> -> memref<640x128xf32, #tpu.memory_space<hbm>>
        tpu.enqueue_dma source(%dma_start3A_46 : memref<640x128xf32, #tpu.memory_space<hbm>>) target(%dma_start3A_44 : memref<640x128xf32, #tpu.memory_space<vmem_shared>>) target_semaphore(%run_scoped3A : memref<!tpu.dma_semaphore, #tpu.memory_space<semaphore_mem>>)
        %dma_wait3A_47 = arith.constant 0 : i32
        %dma_wait3A_48 = tpu.memref_slice %arg7[%mul3A_0, %dma_wait3A_47] : memref<10240x128xf32, #tpu.memory_space<vmem_shared>> -> memref<640x128xf32, #tpu.memory_space<vmem_shared>>
        %dma_wait3A_49 = arith.constant 0 : i32
        %dma_wait3A_50 = tpu.memref_slice %arg5[%mul3A_0, %dma_wait3A_49] : memref<10000x128xf32, #tpu.memory_space<hbm>> -> memref<640x128xf32, #tpu.memory_space<hbm>>
        tpu.wait_dma2 semaphore(%run_scoped3A : memref<!tpu.dma_semaphore, #tpu.memory_space<semaphore_mem>>) src(%dma_wait3A_50 : memref<640x128xf32, #tpu.memory_space<hbm>>) dst(%dma_wait3A_48 : memref<640x128xf32, #tpu.memory_space<vmem_shared>>)
        tpu.yield
      }) : () -> ()
    } else {
    }
    %ne3A_19 = arith.constant 0 : i32
    %ne3A_20 = arith.cmpi ne, %arg0, %ne3A_19 : i32
    %eq3A_21 = arith.constant 15 : i32
    %eq3A_22 = arith.cmpi eq, %arg1, %eq3A_21 : i32
    %and3A_23 = arith.andi %ne3A_20, %eq3A_22 : i1
    %convert_element_type3A_24 = arith.extui %and3A_23 : i1 to i32
    %cond3A_25 = arith.constant 0 : i32
    %cond3A_26 = arith.cmpi ne, %convert_element_type3A_24, %cond3A_25 : i32
    scf.if %cond3A_26 {
      "tpu.region"() ({
        %run_scoped3A = tpu.sem_alloc : memref<!tpu.dma_semaphore, #tpu.memory_space<semaphore_mem>>
        %dma_start3A_43 = arith.constant 9600 : i32
        %dma_start3A_44 = arith.constant 0 : i32
        %dma_start3A_45 = tpu.memref_slice %arg7[%dma_start3A_43, %dma_start3A_44] : memref<10240x128xf32, #tpu.memory_space<vmem_shared>> -> memref<400x128xf32, #tpu.memory_space<vmem_shared>>
        %dma_start3A_46 = arith.constant 9600 : i32
        %dma_start3A_47 = arith.constant 0 : i32
        %dma_start3A_48 = tpu.memref_slice %arg5[%dma_start3A_46, %dma_start3A_47] : memref<10000x128xf32, #tpu.memory_space<hbm>> -> memref<400x128xf32, #tpu.memory_space<hbm>>
        tpu.enqueue_dma source(%dma_start3A_48 : memref<400x128xf32, #tpu.memory_space<hbm>>) target(%dma_start3A_45 : memref<400x128xf32, #tpu.memory_space<vmem_shared>>) target_semaphore(%run_scoped3A : memref<!tpu.dma_semaphore, #tpu.memory_space<semaphore_mem>>)
        %dma_wait3A_49 = arith.constant 9600 : i32
        %dma_wait3A_50 = arith.constant 0 : i32
        %dma_wait3A_51 = tpu.memref_slice %arg7[%dma_wait3A_49, %dma_wait3A_50] : memref<10240x128xf32, #tpu.memory_space<vmem_shared>> -> memref<400x128xf32, #tpu.memory_space<vmem_shared>>
        %dma_wait3A_52 = arith.constant 9600 : i32
        %dma_wait3A_53 = arith.constant 0 : i32
        %dma_wait3A_54 = tpu.memref_slice %arg5[%dma_wait3A_52, %dma_wait3A_53] : memref<10000x128xf32, #tpu.memory_space<hbm>> -> memref<400x128xf32, #tpu.memory_space<hbm>>
        tpu.wait_dma2 semaphore(%run_scoped3A : memref<!tpu.dma_semaphore, #tpu.memory_space<semaphore_mem>>) src(%dma_wait3A_54 : memref<400x128xf32, #tpu.memory_space<hbm>>) dst(%dma_wait3A_51 : memref<400x128xf32, #tpu.memory_space<vmem_shared>>)
        tpu.yield
      }) : () -> ()
    } else {
    }
    %barrier3A = arith.constant 0 : index
    tpu.barrier barrier_id(%barrier3A)
    %mul3A_27 = arith.constant 16 : i32
    %mul3A_28 = arith.muli %arg0, %mul3A_27 : i32
    %add3A = arith.addi %mul3A_28, %arg1 : i32
    %mul3A_29 = arith.constant 10000 : i32
    %mul3A_30 = arith.muli %add3A, %mul3A_29 : i32
    %scan3A = arith.constant 0 : i32
    %scan3A_31 = arith.constant 0 : i32
    %scan3A_32 = arith.constant 78 : i32
    %scan3A_33 = arith.addi %scan3A_31, %scan3A_32 : i32
    %scan3A_34 = arith.constant 1 : i32
    scf.for %scan3A_43 = %scan3A_31 to %scan3A_33 step %scan3A_34  : i32 {
      %mul3A_44 = arith.constant 128 : i32
      %mul3A_45 = arith.muli %scan3A_43, %mul3A_44 : i32
      %add3A_46 = arith.addi %mul3A_30, %mul3A_45 : i32
      "tpu.region"() ({
        %run_scoped3A = tpu.sem_alloc : memref<!tpu.dma_semaphore, #tpu.memory_space<semaphore_mem>>
        %dma_start3A_53 = tpu.memref_slice %arg2[%add3A_46] : memref<320000xi32, #tpu.memory_space<hbm>> -> memref<128xi32, #tpu.memory_space<hbm>>
        %dma_start3A_54 = tpu.memref_slice %arg2[%add3A_46] : memref<320000xi32, #tpu.memory_space<hbm>> -> memref<128xi32, #tpu.memory_space<hbm>>
        tpu.enqueue_dma source(%dma_start3A_54 : memref<128xi32, #tpu.memory_space<hbm>>) target(%arg8 : memref<128xi32, #tpu.memory_space<vmem>>) target_semaphore(%run_scoped3A : memref<!tpu.dma_semaphore, #tpu.memory_space<semaphore_mem>>)
        %dma_wait3A_55 = tpu.memref_slice %arg2[%add3A_46] : memref<320000xi32, #tpu.memory_space<hbm>> -> memref<128xi32, #tpu.memory_space<hbm>>
        %dma_wait3A_56 = tpu.memref_slice %arg2[%add3A_46] : memref<320000xi32, #tpu.memory_space<hbm>> -> memref<128xi32, #tpu.memory_space<hbm>>
        tpu.wait_dma2 semaphore(%run_scoped3A : memref<!tpu.dma_semaphore, #tpu.memory_space<semaphore_mem>>) src(%dma_wait3A_56 : memref<128xi32, #tpu.memory_space<hbm>>) dst(%arg8 : memref<128xi32, #tpu.memory_space<vmem>>)
        tpu.yield
      }) : () -> ()
      "tpu.region"() ({
        %run_scoped3A = tpu.sem_alloc : memref<!tpu.dma_semaphore, #tpu.memory_space<semaphore_mem>>
        %dma_start3A_53 = tpu.memref_slice %arg3[%add3A_46] : memref<320000xi32, #tpu.memory_space<hbm>> -> memref<128xi32, #tpu.memory_space<hbm>>
        %dma_start3A_54 = tpu.memref_slice %arg3[%add3A_46] : memref<320000xi32, #tpu.memory_space<hbm>> -> memref<128xi32, #tpu.memory_space<hbm>>
        tpu.enqueue_dma source(%dma_start3A_54 : memref<128xi32, #tpu.memory_space<hbm>>) target(%arg9 : memref<128xi32, #tpu.memory_space<vmem>>) target_semaphore(%run_scoped3A : memref<!tpu.dma_semaphore, #tpu.memory_space<semaphore_mem>>)
        %dma_wait3A_55 = tpu.memref_slice %arg3[%add3A_46] : memref<320000xi32, #tpu.memory_space<hbm>> -> memref<128xi32, #tpu.memory_space<hbm>>
        %dma_wait3A_56 = tpu.memref_slice %arg3[%add3A_46] : memref<320000xi32, #tpu.memory_space<hbm>> -> memref<128xi32, #tpu.memory_space<hbm>>
        tpu.wait_dma2 semaphore(%run_scoped3A : memref<!tpu.dma_semaphore, #tpu.memory_space<semaphore_mem>>) src(%dma_wait3A_56 : memref<128xi32, #tpu.memory_space<hbm>>) dst(%arg9 : memref<128xi32, #tpu.memory_space<vmem>>)
        tpu.yield
      }) : () -> ()
      %dma_start3A_47 = arith.constant 0 : i32
      %dma_start3A_48 = arith.constant 0 : i32
      %dma_start3A_49 = tpu.memref_slice %arg4[%dma_start3A_47, %dma_start3A_48] : memref<10000x128xf32, #tpu.memory_space<hbm>> -> memref<10000x128xf32, #tpu.memory_space<hbm>>
      tpu.enqueue_indirect_dma source(%dma_start3A_49 : memref<10000x128xf32, #tpu.memory_space<hbm>>) target(%arg12 : memref<128x128xf32, #tpu.memory_space<vmem>>) offsets(%arg8 : memref<128xi32, #tpu.memory_space<vmem>>) semaphore(%arg14 : memref<!tpu.dma_semaphore, #tpu.memory_space<semaphore_mem>>)
      %dma_wait3A_50 = arith.constant 0 : i32
      %dma_wait3A_51 = arith.constant 0 : i32
      %dma_wait3A_52 = tpu.memref_slice %arg4[%dma_wait3A_50, %dma_wait3A_51] : memref<10000x128xf32, #tpu.memory_space<hbm>> -> memref<10000x128xf32, #tpu.memory_space<hbm>>
      tpu.wait_indirect_dma semaphore(%arg14 : memref<!tpu.dma_semaphore, #tpu.memory_space<semaphore_mem>>) src(%dma_wait3A_52 : memref<10000x128xf32, #tpu.memory_space<hbm>>) dst(%arg12 : memref<128x128xf32, #tpu.memory_space<vmem>>)
      "tpu.region"() ({
        %run_scoped3A = tpu.sem_alloc : memref<!tpu.dma_semaphore, #tpu.memory_space<semaphore_mem>>
        %dma_start3A_53 = arith.constant 0 : i32
        %dma_start3A_54 = arith.constant 0 : i32
        %dma_start3A_55 = tpu.memref_slice %arg7[%dma_start3A_53, %dma_start3A_54] : memref<10240x128xf32, #tpu.memory_space<vmem_shared>> -> memref<10240x128xf32, #tpu.memory_space<vmem_shared>>
        tpu.enqueue_indirect_dma source(%arg12 : memref<128x128xf32, #tpu.memory_space<vmem>>) target(%dma_start3A_55 : memref<10240x128xf32, #tpu.memory_space<vmem_shared>>) offsets(%arg9 : memref<128xi32, #tpu.memory_space<vmem>>) semaphore(%run_scoped3A : memref<!tpu.dma_semaphore, #tpu.memory_space<semaphore_mem>>) {add = true}
        %dma_wait3A_56 = arith.constant 0 : i32
        %dma_wait3A_57 = arith.constant 0 : i32
        %dma_wait3A_58 = tpu.memref_slice %arg7[%dma_wait3A_56, %dma_wait3A_57] : memref<10240x128xf32, #tpu.memory_space<vmem_shared>> -> memref<10240x128xf32, #tpu.memory_space<vmem_shared>>
        tpu.wait_indirect_dma semaphore(%run_scoped3A : memref<!tpu.dma_semaphore, #tpu.memory_space<semaphore_mem>>) src(%arg12 : memref<128x128xf32, #tpu.memory_space<vmem>>) dst(%dma_wait3A_58 : memref<10240x128xf32, #tpu.memory_space<vmem_shared>>)
        tpu.yield
      }) : () -> ()
    }
    %scan3A_35 = arith.constant 78 : i32
    %add3A_36 = arith.constant 9984 : i32
    %add3A_37 = arith.addi %mul3A_30, %add3A_36 : i32
    "tpu.region"() ({
      %run_scoped3A = tpu.sem_alloc : memref<!tpu.dma_semaphore, #tpu.memory_space<semaphore_mem>>
      %dma_start3A_43 = tpu.memref_slice %arg2[%add3A_37] : memref<320000xi32, #tpu.memory_space<hbm>> -> memref<16xi32, #tpu.memory_space<hbm>>
      %dma_start3A_44 = tpu.memref_slice %arg2[%add3A_37] : memref<320000xi32, #tpu.memory_space<hbm>> -> memref<16xi32, #tpu.memory_space<hbm>>
      tpu.enqueue_dma source(%dma_start3A_44 : memref<16xi32, #tpu.memory_space<hbm>>) target(%arg10 : memref<16xi32, #tpu.memory_space<vmem>>) target_semaphore(%run_scoped3A : memref<!tpu.dma_semaphore, #tpu.memory_space<semaphore_mem>>)
      %dma_wait3A_45 = tpu.memref_slice %arg2[%add3A_37] : memref<320000xi32, #tpu.memory_space<hbm>> -> memref<16xi32, #tpu.memory_space<hbm>>
      %dma_wait3A_46 = tpu.memref_slice %arg2[%add3A_37] : memref<320000xi32, #tpu.memory_space<hbm>> -> memref<16xi32, #tpu.memory_space<hbm>>
      tpu.wait_dma2 semaphore(%run_scoped3A : memref<!tpu.dma_semaphore, #tpu.memory_space<semaphore_mem>>) src(%dma_wait3A_46 : memref<16xi32, #tpu.memory_space<hbm>>) dst(%arg10 : memref<16xi32, #tpu.memory_space<vmem>>)
      tpu.yield
    }) : () -> ()
    "tpu.region"() ({
      %run_scoped3A = tpu.sem_alloc : memref<!tpu.dma_semaphore, #tpu.memory_space<semaphore_mem>>
      %dma_start3A_43 = tpu.memref_slice %arg3[%add3A_37] : memref<320000xi32, #tpu.memory_space<hbm>> -> memref<16xi32, #tpu.memory_space<hbm>>
      %dma_start3A_44 = tpu.memref_slice %arg3[%add3A_37] : memref<320000xi32, #tpu.memory_space<hbm>> -> memref<16xi32, #tpu.memory_space<hbm>>
      tpu.enqueue_dma source(%dma_start3A_44 : memref<16xi32, #tpu.memory_space<hbm>>) target(%arg11 : memref<16xi32, #tpu.memory_space<vmem>>) target_semaphore(%run_scoped3A : memref<!tpu.dma_semaphore, #tpu.memory_space<semaphore_mem>>)
      %dma_wait3A_45 = tpu.memref_slice %arg3[%add3A_37] : memref<320000xi32, #tpu.memory_space<hbm>> -> memref<16xi32, #tpu.memory_space<hbm>>
      %dma_wait3A_46 = tpu.memref_slice %arg3[%add3A_37] : memref<320000xi32, #tpu.memory_space<hbm>> -> memref<16xi32, #tpu.memory_space<hbm>>
      tpu.wait_dma2 semaphore(%run_scoped3A : memref<!tpu.dma_semaphore, #tpu.memory_space<semaphore_mem>>) src(%dma_wait3A_46 : memref<16xi32, #tpu.memory_space<hbm>>) dst(%arg11 : memref<16xi32, #tpu.memory_space<vmem>>)
      tpu.yield
    }) : () -> ()
    %dma_start3A = arith.constant 0 : i32
    %dma_start3A_38 = arith.constant 0 : i32
    %dma_start3A_39 = tpu.memref_slice %arg4[%dma_start3A, %dma_start3A_38] : memref<10000x128xf32, #tpu.memory_space<hbm>> -> memref<10000x128xf32, #tpu.memory_space<hbm>>
    tpu.enqueue_indirect_dma source(%dma_start3A_39 : memref<10000x128xf32, #tpu.memory_space<hbm>>) target(%arg13 : memref<16x128xf32, #tpu.memory_space<vmem>>) offsets(%arg10 : memref<16xi32, #tpu.memory_space<vmem>>) semaphore(%arg14 : memref<!tpu.dma_semaphore, #tpu.memory_space<semaphore_mem>>)
    %dma_wait3A = arith.constant 0 : i32
    %dma_wait3A_40 = arith.constant 0 : i32
    %dma_wait3A_41 = tpu.memref_slice %arg4[%dma_wait3A, %dma_wait3A_40] : memref<10000x128xf32, #tpu.memory_space<hbm>> -> memref<10000x128xf32, #tpu.memory_space<hbm>>
    tpu.wait_indirect_dma semaphore(%arg14 : memref<!tpu.dma_semaphore, #tpu.memory_space<semaphore_mem>>) src(%dma_wait3A_41 : memref<10000x128xf32, #tpu.memory_space<hbm>>) dst(%arg13 : memref<16x128xf32, #tpu.memory_space<vmem>>)
    "tpu.region"() ({
      %run_scoped3A = tpu.sem_alloc : memref<!tpu.dma_semaphore, #tpu.memory_space<semaphore_mem>>
      %dma_start3A_43 = arith.constant 0 : i32
      %dma_start3A_44 = arith.constant 0 : i32
      %dma_start3A_45 = tpu.memref_slice %arg7[%dma_start3A_43, %dma_start3A_44] : memref<10240x128xf32, #tpu.memory_space<vmem_shared>> -> memref<10240x128xf32, #tpu.memory_space<vmem_shared>>
      tpu.enqueue_indirect_dma source(%arg13 : memref<16x128xf32, #tpu.memory_space<vmem>>) target(%dma_start3A_45 : memref<10240x128xf32, #tpu.memory_space<vmem_shared>>) offsets(%arg11 : memref<16xi32, #tpu.memory_space<vmem>>) semaphore(%run_scoped3A : memref<!tpu.dma_semaphore, #tpu.memory_space<semaphore_mem>>) {add = true}
      %dma_wait3A_46 = arith.constant 0 : i32
      %dma_wait3A_47 = arith.constant 0 : i32
      %dma_wait3A_48 = tpu.memref_slice %arg7[%dma_wait3A_46, %dma_wait3A_47] : memref<10240x128xf32, #tpu.memory_space<vmem_shared>> -> memref<10240x128xf32, #tpu.memory_space<vmem_shared>>
      tpu.wait_indirect_dma semaphore(%run_scoped3A : memref<!tpu.dma_semaphore, #tpu.memory_space<semaphore_mem>>) src(%arg13 : memref<16x128xf32, #tpu.memory_space<vmem>>) dst(%dma_wait3A_48 : memref<10240x128xf32, #tpu.memory_space<vmem_shared>>)
      tpu.yield
    }) : () -> ()
    %barrier3A_42 = arith.constant 0 : index
    tpu.barrier barrier_id(%barrier3A_42)
    "tpu.region"() ({
      %run_scoped3A = tpu.sem_alloc : memref<!tpu.dma_semaphore, #tpu.memory_space<semaphore_mem>>
      %dma_start3A_43 = arith.constant 0 : i32
      %dma_start3A_44 = tpu.memref_slice %arg6[%arg0, %mul3A_0, %dma_start3A_43] : memref<2x10240x128xf32, #tpu.memory_space<hbm>> -> memref<1x640x128xf32, #tpu.memory_space<hbm>>
      %dma_start3A_45 = tpu.memref_squeeze %dma_start3A_44 : memref<1x640x128xf32, #tpu.memory_space<hbm>> -> memref<640x128xf32, #tpu.memory_space<hbm>>
      %dma_start3A_46 = arith.constant 0 : i32
      %dma_start3A_47 = tpu.memref_slice %arg7[%mul3A_0, %dma_start3A_46] : memref<10240x128xf32, #tpu.memory_space<vmem_shared>> -> memref<640x128xf32, #tpu.memory_space<vmem_shared>>
      tpu.enqueue_dma source(%dma_start3A_47 : memref<640x128xf32, #tpu.memory_space<vmem_shared>>) target(%dma_start3A_45 : memref<640x128xf32, #tpu.memory_space<hbm>>) target_semaphore(%run_scoped3A : memref<!tpu.dma_semaphore, #tpu.memory_space<semaphore_mem>>)
      %dma_wait3A_48 = arith.constant 0 : i32
      %dma_wait3A_49 = tpu.memref_slice %arg6[%arg0, %mul3A_0, %dma_wait3A_48] : memref<2x10240x128xf32, #tpu.memory_space<hbm>> -> memref<1x640x128xf32, #tpu.memory_space<hbm>>
      %dma_wait3A_50 = tpu.memref_squeeze %dma_wait3A_49 : memref<1x640x128xf32, #tpu.memory_space<hbm>> -> memref<640x128xf32, #tpu.memory_space<hbm>>
      %dma_wait3A_51 = arith.constant 0 : i32
      %dma_wait3A_52 = tpu.memref_slice %arg7[%mul3A_0, %dma_wait3A_51] : memref<10240x128xf32, #tpu.memory_space<vmem_shared>> -> memref<640x128xf32, #tpu.memory_space<vmem_shared>>
      tpu.wait_dma2 semaphore(%run_scoped3A : memref<!tpu.dma_semaphore, #tpu.memory_space<semaphore_mem>>) src(%dma_wait3A_52 : memref<640x128xf32, #tpu.memory_space<vmem_shared>>) dst(%dma_wait3A_50 : memref<640x128xf32, #tpu.memory_space<hbm>>)
      tpu.yield
    }) : () -> ()
    return
  }
}

module attributes {stable_mosaic.version = 14 : i64} {
  func.func @_tc1_body(%arg0: i32, %arg1: memref<1000x128xf32, #tpu.memory_space<vmem>>, %arg2: memref<128x128xf32, #tpu.memory_space<vmem>>, %arg3: memref<1000x2xf32, #tpu.memory_space<vmem>>, %arg4: memref<1000x128xf32, #tpu.memory_space<vmem>>, %arg5: memref<1000x1xf32, #tpu.memory_space<vmem>>) attributes {dimension_semantics = [#tpu.dimension_semantics<arbitrary>], iteration_bounds = array<i64: 10>, scalar_prefetch = 0 : i64, scratch_operands = 0 : i64, tpu.core_type = #tpu.core_type<tc>, window_params = [{transform_indices = @transform_0, window_bounds = array<i64: 1000, 128>}, {pipeline_mode = #tpu.pipeline_mode<synchronous>, transform_indices = @transform_1, window_bounds = array<i64: 128, 128>}, {transform_indices = @transform_2, window_bounds = array<i64: 1000, 2>}, {transform_indices = @transform_3, window_bounds = array<i64: 1000, 128>}, {transform_indices = @transform_4, window_bounds = array<i64: 1000, 1>}]} {
    %get3A = arith.constant 0 : index
    %get3A_0 = arith.constant 0 : index
    %get3A_1 = vector.load %arg3[%get3A, %get3A_0] : memref<1000x2xf32, #tpu.memory_space<vmem>>, vector<1000x1xf32>
    %get3A_2 = arith.constant 0 : index
    %get3A_3 = arith.constant 1 : index
    %get3A_4 = vector.load %arg3[%get3A_2, %get3A_3] : memref<1000x2xf32, #tpu.memory_space<vmem>>, vector<1000x1xf32>
    %add3A = arith.addf %get3A_1, %get3A_4 : vector<1000x1xf32>
    %add3A_5 = arith.constant 1.000000e+00 : f32
    %add3A_6 = vector.broadcast %add3A_5 : f32 to vector<1000x1xf32>
    %add3A_7 = arith.addf %add3A, %add3A_6 : vector<1000x1xf32>
    %rsqrt3A = math.rsqrt %add3A_7 : vector<1000x1xf32>
    %get3A_8 = arith.constant 0 : index
    %get3A_9 = arith.constant 0 : index
    %get3A_10 = vector.load %arg1[%get3A_8, %get3A_9] : memref<1000x128xf32, #tpu.memory_space<vmem>>, vector<1000x128xf32>
    %get3A_11 = arith.constant 0 : index
    %get3A_12 = arith.constant 0 : index
    %get3A_13 = vector.load %arg2[%get3A_11, %get3A_12] : memref<128x128xf32, #tpu.memory_space<vmem>>, vector<128x128xf32>
    %dot_general3A = arith.constant dense<0.000000e+00> : vector<1000x128xf32>
    %dot_general3A_14 = tpu.matmul %get3A_10, %get3A_13, %dot_general3A {dimension_numbers = #tpu.dot_dimension_numbers<[1], [0], [0], [1], [0, 0, 1, 1], [], []>, transpose_lhs_hint = false} : vector<1000x128xf32>, vector<128x128xf32>, vector<1000x128xf32> -> vector<1000x128xf32>
    %mul3A = vector.broadcast %rsqrt3A : vector<1000x1xf32> to vector<1000x128xf32>
    %mul3A_15 = arith.mulf %dot_general3A_14, %mul3A : vector<1000x128xf32>
    %swap3A = arith.constant 0 : index
    %swap3A_16 = arith.constant 0 : index
    %swap3A_17 = vector.load %arg4[%swap3A, %swap3A_16] : memref<1000x128xf32, #tpu.memory_space<vmem>>, vector<1000x128xf32>
    tpu.vector_store %arg4[%swap3A, %swap3A_16], %mul3A_15 {strides = array<i32>} : memref<1000x128xf32, #tpu.memory_space<vmem>>, vector<1000x128xf32>,
    %swap3A_18 = arith.constant 0 : index
    %swap3A_19 = arith.constant 0 : index
    %swap3A_20 = vector.load %arg5[%swap3A_18, %swap3A_19] : memref<1000x1xf32, #tpu.memory_space<vmem>>, vector<1000x1xf32>
    tpu.vector_store %arg5[%swap3A_18, %swap3A_19], %rsqrt3A {strides = array<i32>} : memref<1000x1xf32, #tpu.memory_space<vmem>>, vector<1000x1xf32>,
    return
  }
  func.func @transform_0(%arg0: i32) -> (i32, i32) {
    %c0_i32 = arith.constant 0 : i32
    %c0_i32_0 = arith.constant 0 : i32
    return %arg0, %c0_i32 : i32, i32
  }
  func.func @transform_1(%arg0: i32) -> (i32, i32) {
    %c0_i32 = arith.constant 0 : i32
    %c0_i32_0 = arith.constant 0 : i32
    %c0_i32_1 = arith.constant 0 : i32
    return %c0_i32, %c0_i32_0 : i32, i32
  }
  func.func @transform_2(%arg0: i32) -> (i32, i32) {
    %c0_i32 = arith.constant 0 : i32
    %c0_i32_0 = arith.constant 0 : i32
    return %arg0, %c0_i32 : i32, i32
  }
  func.func @transform_3(%arg0: i32) -> (i32, i32) {
    %c0_i32 = arith.constant 0 : i32
    %c0_i32_0 = arith.constant 0 : i32
    return %arg0, %c0_i32 : i32, i32
  }
  func.func @transform_4(%arg0: i32) -> (i32, i32) {
    %c0_i32 = arith.constant 0 : i32
    %c0_i32_0 = arith.constant 0 : i32
    return %arg0, %c0_i32 : i32, i32
  }
}

module attributes {stable_mosaic.version = 14 : i64} {
  func.func @_tc2_body(%arg0: i32, %arg1: memref<1x1000x128xf32, #tpu.memory_space<vmem>>, %arg2: memref<1x1000x128xf32, #tpu.memory_space<vmem>>, %arg3: memref<1000x1xf32, #tpu.memory_space<vmem>>, %arg4: memref<1x128xf32, #tpu.memory_space<vmem>>, %arg5: memref<128x128xf32, #tpu.memory_space<vmem>>, %arg6: memref<1000x128xf32, #tpu.memory_space<vmem>>) attributes {dimension_semantics = [#tpu.dimension_semantics<arbitrary>], iteration_bounds = array<i64: 10>, scalar_prefetch = 0 : i64, scratch_operands = 0 : i64, tpu.core_type = #tpu.core_type<tc>, window_params = [{transform_indices = @transform_0, window_bounds = array<i64: 1, 1000, 128>}, {transform_indices = @transform_1, window_bounds = array<i64: 1, 1000, 128>}, {transform_indices = @transform_2, window_bounds = array<i64: 1000, 1>}, {pipeline_mode = #tpu.pipeline_mode<synchronous>, transform_indices = @transform_3, window_bounds = array<i64: 1, 128>}, {pipeline_mode = #tpu.pipeline_mode<synchronous>, transform_indices = @transform_4, window_bounds = array<i64: 128, 128>}, {transform_indices = @transform_5, window_bounds = array<i64: 1000, 128>}]} {
    %get3A = arith.constant 0 : index
    %get3A_0 = arith.constant 0 : index
    %get3A_1 = vector.load %arg3[%get3A, %get3A_0] : memref<1000x1xf32, #tpu.memory_space<vmem>>, vector<1000x1xf32>
    %get3A_2 = arith.constant 0 : index
    %get3A_3 = arith.constant 0 : index
    %get3A_4 = arith.constant 0 : index
    %get3A_5 = vector.load %arg1[%get3A_2, %get3A_3, %get3A_4] : memref<1x1000x128xf32, #tpu.memory_space<vmem>>, vector<1x1000x128xf32>
    %get3A_6 = vector.shape_cast %get3A_5 : vector<1x1000x128xf32> to vector<1000x128xf32>
    %get3A_7 = arith.constant 0 : index
    %get3A_8 = arith.constant 0 : index
    %get3A_9 = arith.constant 0 : index
    %get3A_10 = vector.load %arg2[%get3A_7, %get3A_8, %get3A_9] : memref<1x1000x128xf32, #tpu.memory_space<vmem>>, vector<1x1000x128xf32>
    %get3A_11 = vector.shape_cast %get3A_10 : vector<1x1000x128xf32> to vector<1000x128xf32>
    %add3A = arith.addf %get3A_6, %get3A_11 : vector<1000x128xf32>
    %mul3A = vector.broadcast %get3A_1 : vector<1000x1xf32> to vector<1000x128xf32>
    %mul3A_12 = arith.mulf %add3A, %mul3A : vector<1000x128xf32>
    %get3A_13 = arith.constant 0 : index
    %get3A_14 = arith.constant 0 : index
    %get3A_15 = vector.load %arg4[%get3A_13, %get3A_14] : memref<1x128xf32, #tpu.memory_space<vmem>>, vector<1x128xf32>
    %add3A_16 = vector.broadcast %get3A_15 : vector<1x128xf32> to vector<1000x128xf32>
    %add3A_17 = arith.addf %mul3A_12, %add3A_16 : vector<1000x128xf32>
    %max3A = arith.constant 0.000000e+00 : f32
    %max3A_18 = vector.broadcast %max3A : f32 to vector<1000x128xf32>
    %max3A_19 = arith.maximumf %add3A_17, %max3A_18 : vector<1000x128xf32>
    %get3A_20 = arith.constant 0 : index
    %get3A_21 = arith.constant 0 : index
    %get3A_22 = vector.load %arg5[%get3A_20, %get3A_21] : memref<128x128xf32, #tpu.memory_space<vmem>>, vector<128x128xf32>
    %dot_general3A = arith.constant dense<0.000000e+00> : vector<1000x128xf32>
    %dot_general3A_23 = tpu.matmul %max3A_19, %get3A_22, %dot_general3A {dimension_numbers = #tpu.dot_dimension_numbers<[1], [0], [0], [1], [0, 0, 1, 1], [], []>, transpose_lhs_hint = false} : vector<1000x128xf32>, vector<128x128xf32>, vector<1000x128xf32> -> vector<1000x128xf32>
    %mul3A_24 = vector.broadcast %get3A_1 : vector<1000x1xf32> to vector<1000x128xf32>
    %mul3A_25 = arith.mulf %dot_general3A_23, %mul3A_24 : vector<1000x128xf32>
    %swap3A = arith.constant 0 : index
    %swap3A_26 = arith.constant 0 : index
    %swap3A_27 = vector.load %arg6[%swap3A, %swap3A_26] : memref<1000x128xf32, #tpu.memory_space<vmem>>, vector<1000x128xf32>
    tpu.vector_store %arg6[%swap3A, %swap3A_26], %mul3A_25 {strides = array<i32>} : memref<1000x128xf32, #tpu.memory_space<vmem>>, vector<1000x128xf32>,
    return
  }
  func.func @transform_0(%arg0: i32) -> (i32, i32, i32) {
    %c0_i32 = arith.constant 0 : i32
    %c0_i32_0 = arith.constant 0 : i32
    %c0_i32_1 = arith.constant 0 : i32
    return %c0_i32, %arg0, %c0_i32_0 : i32, i32, i32
  }
  func.func @transform_1(%arg0: i32) -> (i32, i32, i32) {
    %c1_i32 = arith.constant 1 : i32
    %c0_i32 = arith.constant 0 : i32
    %c0_i32_0 = arith.constant 0 : i32
    return %c1_i32, %arg0, %c0_i32 : i32, i32, i32
  }
  func.func @transform_2(%arg0: i32) -> (i32, i32) {
    %c0_i32 = arith.constant 0 : i32
    %c0_i32_0 = arith.constant 0 : i32
    return %arg0, %c0_i32 : i32, i32
  }
  func.func @transform_3(%arg0: i32) -> (i32, i32) {
    %c0_i32 = arith.constant 0 : i32
    %c0_i32_0 = arith.constant 0 : i32
    %c0_i32_1 = arith.constant 0 : i32
    return %c0_i32, %c0_i32_0 : i32, i32
  }
  func.func @transform_4(%arg0: i32) -> (i32, i32) {
    %c0_i32 = arith.constant 0 : i32
    %c0_i32_0 = arith.constant 0 : i32
    %c0_i32_1 = arith.constant 0 : i32
    return %c0_i32, %c0_i32_0 : i32, i32
  }
  func.func @transform_5(%arg0: i32) -> (i32, i32) {
    %c0_i32 = arith.constant 0 : i32
    %c0_i32_0 = arith.constant 0 : i32
    return %arg0, %c0_i32 : i32, i32
  }
}

module attributes {stable_mosaic.version = 14 : i64} {
  func.func @_tc3_body(%arg0: i32, %arg1: memref<1x1000x128xf32, #tpu.memory_space<vmem>>, %arg2: memref<1x1000x128xf32, #tpu.memory_space<vmem>>, %arg3: memref<1000x1xf32, #tpu.memory_space<vmem>>, %arg4: memref<1x128xf32, #tpu.memory_space<vmem>>, %arg5: memref<128x128xf32, #tpu.memory_space<vmem>>, %arg6: memref<1x128xf32, #tpu.memory_space<vmem>>, %arg7: memref<1000x128xf32, #tpu.memory_space<vmem>>, %arg8: memref<1000x128xf32, #tpu.memory_space<vmem>>) attributes {dimension_semantics = [#tpu.dimension_semantics<arbitrary>], iteration_bounds = array<i64: 10>, scalar_prefetch = 0 : i64, scratch_operands = 0 : i64, tpu.core_type = #tpu.core_type<tc>, window_params = [{transform_indices = @transform_0, window_bounds = array<i64: 1, 1000, 128>}, {transform_indices = @transform_1, window_bounds = array<i64: 1, 1000, 128>}, {transform_indices = @transform_2, window_bounds = array<i64: 1000, 1>}, {pipeline_mode = #tpu.pipeline_mode<synchronous>, transform_indices = @transform_3, window_bounds = array<i64: 1, 128>}, {pipeline_mode = #tpu.pipeline_mode<synchronous>, transform_indices = @transform_4, window_bounds = array<i64: 128, 128>}, {pipeline_mode = #tpu.pipeline_mode<synchronous>, transform_indices = @transform_5, window_bounds = array<i64: 1, 128>}, {transform_indices = @transform_6, window_bounds = array<i64: 1000, 128>}, {transform_indices = @transform_7, window_bounds = array<i64: 1000, 128>}]} {
    %get3A = arith.constant 0 : index
    %get3A_0 = arith.constant 0 : index
    %get3A_1 = arith.constant 0 : index
    %get3A_2 = vector.load %arg1[%get3A, %get3A_0, %get3A_1] : memref<1x1000x128xf32, #tpu.memory_space<vmem>>, vector<1x1000x128xf32>
    %get3A_3 = vector.shape_cast %get3A_2 : vector<1x1000x128xf32> to vector<1000x128xf32>
    %get3A_4 = arith.constant 0 : index
    %get3A_5 = arith.constant 0 : index
    %get3A_6 = arith.constant 0 : index
    %get3A_7 = vector.load %arg2[%get3A_4, %get3A_5, %get3A_6] : memref<1x1000x128xf32, #tpu.memory_space<vmem>>, vector<1x1000x128xf32>
    %get3A_8 = vector.shape_cast %get3A_7 : vector<1x1000x128xf32> to vector<1000x128xf32>
    %add3A = arith.addf %get3A_3, %get3A_8 : vector<1000x128xf32>
    %get3A_9 = arith.constant 0 : index
    %get3A_10 = arith.constant 0 : index
    %get3A_11 = vector.load %arg3[%get3A_9, %get3A_10] : memref<1000x1xf32, #tpu.memory_space<vmem>>, vector<1000x1xf32>
    %mul3A = vector.broadcast %get3A_11 : vector<1000x1xf32> to vector<1000x128xf32>
    %mul3A_12 = arith.mulf %add3A, %mul3A : vector<1000x128xf32>
    %get3A_13 = arith.constant 0 : index
    %get3A_14 = arith.constant 0 : index
    %get3A_15 = vector.load %arg4[%get3A_13, %get3A_14] : memref<1x128xf32, #tpu.memory_space<vmem>>, vector<1x128xf32>
    %add3A_16 = vector.broadcast %get3A_15 : vector<1x128xf32> to vector<1000x128xf32>
    %add3A_17 = arith.addf %mul3A_12, %add3A_16 : vector<1000x128xf32>
    %swap3A = arith.constant 0 : index
    %swap3A_18 = arith.constant 0 : index
    %swap3A_19 = vector.load %arg7[%swap3A, %swap3A_18] : memref<1000x128xf32, #tpu.memory_space<vmem>>, vector<1000x128xf32>
    tpu.vector_store %arg7[%swap3A, %swap3A_18], %add3A_17 {strides = array<i32>} : memref<1000x128xf32, #tpu.memory_space<vmem>>, vector<1000x128xf32>,
    %get3A_20 = arith.constant 0 : index
    %get3A_21 = arith.constant 0 : index
    %get3A_22 = vector.load %arg5[%get3A_20, %get3A_21] : memref<128x128xf32, #tpu.memory_space<vmem>>, vector<128x128xf32>
    %dot_general3A = arith.constant dense<0.000000e+00> : vector<1000x128xf32>
    %dot_general3A_23 = tpu.matmul %add3A_17, %get3A_22, %dot_general3A {dimension_numbers = #tpu.dot_dimension_numbers<[1], [0], [0], [1], [0, 0, 1, 1], [], []>, transpose_lhs_hint = false} : vector<1000x128xf32>, vector<128x128xf32>, vector<1000x128xf32> -> vector<1000x128xf32>
    %get3A_24 = arith.constant 0 : index
    %get3A_25 = arith.constant 0 : index
    %get3A_26 = vector.load %arg6[%get3A_24, %get3A_25] : memref<1x128xf32, #tpu.memory_space<vmem>>, vector<1x128xf32>
    %add3A_27 = vector.broadcast %get3A_26 : vector<1x128xf32> to vector<1000x128xf32>
    %add3A_28 = arith.addf %dot_general3A_23, %add3A_27 : vector<1000x128xf32>
    %ge3A = arith.constant 0.000000e+00 : f32
    %ge3A_29 = vector.broadcast %ge3A : f32 to vector<1000x128xf32>
    %ge3A_30 = arith.cmpf oge, %add3A_28, %ge3A_29 : vector<1000x128xf32>
    %mul3A_31 = arith.constant 0.00999999977 : f32
    %mul3A_32 = vector.broadcast %mul3A_31 : f32 to vector<1000x128xf32>
    %mul3A_33 = arith.mulf %mul3A_32, %add3A_28 : vector<1000x128xf32>
    %select_n3A = arith.select %ge3A_30, %add3A_28, %mul3A_33 : vector<1000x128xi1>, vector<1000x128xf32>
    %swap3A_34 = arith.constant 0 : index
    %swap3A_35 = arith.constant 0 : index
    %swap3A_36 = vector.load %arg8[%swap3A_34, %swap3A_35] : memref<1000x128xf32, #tpu.memory_space<vmem>>, vector<1000x128xf32>
    tpu.vector_store %arg8[%swap3A_34, %swap3A_35], %select_n3A {strides = array<i32>} : memref<1000x128xf32, #tpu.memory_space<vmem>>, vector<1000x128xf32>,
    return
  }
  func.func @transform_0(%arg0: i32) -> (i32, i32, i32) {
    %c0_i32 = arith.constant 0 : i32
    %c0_i32_0 = arith.constant 0 : i32
    %c0_i32_1 = arith.constant 0 : i32
    return %c0_i32, %arg0, %c0_i32_0 : i32, i32, i32
  }
  func.func @transform_1(%arg0: i32) -> (i32, i32, i32) {
    %c1_i32 = arith.constant 1 : i32
    %c0_i32 = arith.constant 0 : i32
    %c0_i32_0 = arith.constant 0 : i32
    return %c1_i32, %arg0, %c0_i32 : i32, i32, i32
  }
  func.func @transform_2(%arg0: i32) -> (i32, i32) {
    %c0_i32 = arith.constant 0 : i32
    %c0_i32_0 = arith.constant 0 : i32
    return %arg0, %c0_i32 : i32, i32
  }
  func.func @transform_3(%arg0: i32) -> (i32, i32) {
    %c0_i32 = arith.constant 0 : i32
    %c0_i32_0 = arith.constant 0 : i32
    %c0_i32_1 = arith.constant 0 : i32
    return %c0_i32, %c0_i32_0 : i32, i32
  }
  func.func @transform_4(%arg0: i32) -> (i32, i32) {
    %c0_i32 = arith.constant 0 : i32
    %c0_i32_0 = arith.constant 0 : i32
    %c0_i32_1 = arith.constant 0 : i32
    return %c0_i32, %c0_i32_0 : i32, i32
  }
  func.func @transform_5(%arg0: i32) -> (i32, i32) {
    %c0_i32 = arith.constant 0 : i32
    %c0_i32_0 = arith.constant 0 : i32
    %c0_i32_1 = arith.constant 0 : i32
    return %c0_i32, %c0_i32_0 : i32, i32
  }
  func.func @transform_6(%arg0: i32) -> (i32, i32) {
    %c0_i32 = arith.constant 0 : i32
    %c0_i32_0 = arith.constant 0 : i32
    return %arg0, %c0_i32 : i32, i32
  }
  func.func @transform_7(%arg0: i32) -> (i32, i32) {
    %c0_i32 = arith.constant 0 : i32
    %c0_i32_0 = arith.constant 0 : i32
    return %arg0, %c0_i32 : i32, i32
  }
}

</mosaic_0001>

<sc_bundles>
// kernel: kernel.12.cloned.1.call-start
scs
__scs_entry_jumppad:
0x0: {  	(pc) =	sbr.rel $0x88, $3  }
0x1: {  	(tag) =	ssettag $0x0;
	lr =	simm.s32 $0x1  }
0x2: {  	[smem:$0x3F95] =	sst lr;
	_ =	strace $0xD0000000  }
0x3: {  	_ = 	snop  }
0x4: {  	_ = 	snop  }
0x5: {  	_ = 	snop  }
0x6: {  	_ = 	snop  }
0x7: {  	_ = 	snop  }
__scs_overlays_trampoline_lowered:
0x8: {  	[smem:$0x3FA4] =	sst s0  }
0x9: {  	[smem:$0x3FA5] =	sst s1  }
0xa: {  	[smem:$0x3FA6] =	sst s2  }
0xb: {  	[smem:$0x3FA7] =	sst s3  }
0xc: {  	[smem:$0x3FA8] =	sst s4  }
0xd: {  	[smem:$0x3FA9] =	sst s5  }
0xe: {  	[smem:$0x3FAA] =	sst s6  }
0xf: {  	[smem:$0x3FAB] =	sst s7  }
0x10: {  	[smem:$0x3FAC] =	sst s8  }
0x11: {  	[smem:$0x3FAD] =	sst s9;
	s0 =	simm.s32 @!p0 $0x0  }
0x12: {  	s1 =	sld [smem:$0x3F93];
	s0 =	simm.s32 @p0 $0x1  }
0x13: {  	[smem:$0x3FAE] =	sst s0;
	s0 =	simm.s32 @!p1 $0x0  }
0x14: {  	s2 =	sld [smem:$0x3F92];
	s0 =	simm.s32 @p1 $0x1  }
0x15: {  	[smem:$0x3FAF] =	sst s0;
	s0 =	simm.s32 @!p2 $0x0  }
0x16: {  	s3 =	sld [smem:$0x3FDB];
	s0 =	simm.s32 @p2 $0x1  }
0x17: {  	s4 =	simm.s32 $0x1BF5;
	[smem:$0x3FB1] =	sst s0  }
0x18: {  	s0 =	sld [smem:$0x3F94];
	_ =	swait.ge [sflag:s4], $0x0  }
0x19: {  	s7 =	sld [smem:$0x3F95]  }
0x1a: {  	s8 =	sadd.s32 $0xFFFFE003, lr  }
0x1b: {  	s9 =	sadd.s32 $0xFFFFFEF7, lr;
	s5 =	simm.s32 $0xFFFFFFFF;
	p2 =	slt.u32 s8, $0xFFFFF086  }
0x1c: {  	p1 =	slt.u32 s9, $0xF7A;
	s5 =	simm.s32 @!p2 $0x0  }
0x1d: {  	s5 =	simm.s32 @p1 $0x1;
	p0 =	seq.s32 s7, s2  }
0x1e: {  	s7 =	smul.u32 @!p0 $0xF7A, s2;
	p2 =	seq.s32 @!p0 s5, $0x0  }
0x1f: {  	s9 =	smul.u32 $0xF7A, s1;
	s8 =	simm.s32 @!p0 $0x1BF5;
	p2 =	por !p2, p0  }
0x20: {  	[sflag:s8] =	ssyncset.s32 @!p0 $0xFFFFF086;
	s6 =	sadd.s32 @!p0 s3, s7;
	s7 =	simm.s32 @!p0 $0x108  }
0x21: {  	s3 =	sadd.s32 s3, s9;
	s6 =	sadd.s32 @!p0 $0x88, s6;
	s7 =	simm.s32 @p2 $0x1082  }
0x22: {  	[simem:s7], [sflag:s8] =	dma.local @!p0 [hbm:s6], $0xF7A  }
0x23: {  	s9 =	sor.u32 $0xD0000000, s2;
	s6 =	simm.s32 $0x108;
	_ =	swait.ge @!p0 [sflag:s8], $0x0  }
0x24: {  	s3 =	sadd.s32 $0x88, s3;
	s6 =	simm.s32 @!p1 $0x1082;
	[sflag:s4] =	ssyncset.s32 $0xFFFFF086  }
0x25: {  	[simem:s6], [sflag:s4] =	dma.local [hbm:s3], $0xF7A  }
0x26: {  	[smem:$0x3F95] =	sst s1;
	(tag) =	ssettag s2;
	_ =	strace s9  }
0x27: {  	s1 =	sld [smem:$0x3FA5]  }
0x28: {  	s2 =	sld [smem:$0x3FA6]  }
0x29: {  	s4 =	sld [smem:$0x3FA8]  }
0x2a: {  	p0 =	seq.s32 s5, $0x0;
	s5 =	sld [smem:$0x3FA9]  }
0x2b: {  	s6 =	sld [smem:$0x3FAA]  }
0x2c: {  	s7 =	sld [smem:$0x3FAB]  }
0x2d: {  	s3 =	simm.s32 $0x108;
	s8 =	sld [smem:$0x3FAC]  }
0x2e: {  	s3 =	simm.s32 @!p0 $0x1082;
	s9 =	sld [smem:$0x3FAD]  }
0x2f: {  	lr =	sadd.s32 s0, s3;
	s0 =	sld [smem:$0x3FA4]  }
0x30: {  	s3 =	sld [smem:$0x3FA7]  }
0x31: {  	[smem:$0x3FB0] =	sst s10  }
0x32: {  	s10 =	sld [smem:$0x3FAE];
	_ =	sdelay $0x3  }
0x33: {  	p0 =	seq.s32 s10, $0x1;
	s10 =	sld [smem:$0x3FB0];
	_ =	sdelay $0x3  }
0x34: {  	[smem:$0x3FB0] =	sst s10  }
0x35: {  	s10 =	sld [smem:$0x3FAF];
	_ =	sdelay $0x3  }
0x36: {  	p1 =	seq.s32 s10, $0x1;
	s10 =	sld [smem:$0x3FB0];
	_ =	sdelay $0x3  }
0x37: {  	[smem:$0x3FB0] =	sst s10  }
0x38: {  	s10 =	sld [smem:$0x3FB1]  }
0x39: {  	_ = 	snop;
	(pc) =	sbr.ind lr, $3  }
0x3a: {  	_ = 	snop  }
0x3b: {  	_ = 	snop  }
0x3c: {  	p2 =	seq.s32 s10, $0x1;
	s10 =	sld [smem:$0x3FB0]  }
0x3d: {  	_ =	shalt  }
0x3e: {  	_ =	shalt  }
0x3f: {  	_ =	shalt  }
0x40: {  	_ =	shalt  }
0x41: {  	_ =	shalt  }
0x42: {  	_ =	shalt  }
0x43: {  	_ =	shalt  }
0x44: {  	_ =	shalt  }
0x45: {  	_ =	shalt  }
0x46: {  	_ =	shalt  }
0x47: {  	_ =	shalt  }
0x48: {  	_ =	shalt  }
0x49: {  	_ =	shalt  }
0x4a: {  	_ =	shalt  }
0x4b: {  	_ =	shalt  }
0x4c: {  	_ =	shalt  }
0x4d: {  	_ =	shalt  }
0x4e: {  	_ =	shalt  }
0x4f: {  	_ =	shalt  }
0x50: {  	_ =	shalt  }
0x51: {  	_ =	shalt  }
0x52: {  	_ =	shalt  }
0x53: {  	_ =	shalt  }
0x54: {  	_ =	shalt  }
0x55: {  	_ =	shalt  }
0x56: {  	_ =	shalt  }
0x57: {  	_ =	shalt  }
0x58: {  	_ =	shalt  }
0x59: {  	_ =	shalt  }
0x5a: {  	_ =	shalt  }
0x5b: {  	_ =	shalt  }
0x5c: {  	_ =	shalt  }
0x5d: {  	_ =	shalt  }
0x5e: {  	_ =	shalt  }
0x5f: {  	_ =	shalt  }
0x60: {  	_ =	shalt  }
0x61: {  	_ =	shalt  }
0x62: {  	_ =	shalt  }
0x63: {  	_ =	shalt  }
0x64: {  	_ =	shalt  }
0x65: {  	_ =	shalt  }
0x66: {  	_ =	shalt  }
0x67: {  	_ =	shalt  }
0x68: {  	_ =	shalt  }
0x69: {  	_ =	shalt  }
0x6a: {  	_ =	shalt  }
0x6b: {  	_ =	shalt  }
0x6c: {  	_ =	shalt  }
0x6d: {  	_ =	shalt  }
0x6e: {  	_ =	shalt  }
0x6f: {  	_ =	shalt  }
0x70: {  	_ =	shalt  }
0x71: {  	_ =	shalt  }
0x72: {  	_ =	shalt  }
0x73: {  	_ =	shalt  }
0x74: {  	_ =	shalt  }
0x75: {  	_ =	shalt  }
0x76: {  	_ =	shalt  }
0x77: {  	_ =	shalt  }
0x78: {  	_ =	shalt  }
0x79: {  	_ =	shalt  }
0x7a: {  	_ =	shalt  }
0x7b: {  	_ =	shalt  }
0x7c: {  	_ =	shalt  }
0x7d: {  	_ =	shalt  }
0x7e: {  	_ =	shalt  }
0x7f: {  	_ =	shalt  }
0x80: {  	_ =	shalt  }
0x81: {  	_ =	shalt  }
0x82: {  	_ =	shalt  }
0x83: {  	_ =	shalt  }
0x84: {  	_ =	shalt  }
0x85: {  	_ =	shalt  }
0x86: {  	_ =	shalt  }
0x87: {  	_ =	shalt  }
.Lfunc_end0:
.L_simem_size_0:
called_computation.1_lowered:
.L_overlay_start_0:
0x88: {  	s2 =	sld [smem:$0x3FD9]  }
0x89: {  	s3 =	sld [smem:$0x3FFE];
	_ =	sdelay $0x1  }
0x8a: {  	s1 =	srdreg.scid  }
0x8b: {  	s0 =	sand.u32 $0x1, s1  }
0x8c: {  	s14 =	sshll.u32 s0, $0xA;
	s2 =	sadd.s32 s3, s2  }
0x8d: {  	s2 =	sadd.s32 s2, s14  }
0x8e: {  	[smem:$0x3FBC] =	sst s2  }
0x8f: {  	_ = 	snop  }
0x90: {  	s2 =	sld [smem:$0x3FD0];
	_ =	sdelay $0x2  }
0x91: {  	s15 =	simm.s32 $0xA;
	s4 =	simm.s32 $0x10  }
0x92: {  	[smem:s4], [sflag:s15] =	dma.local [hbm:s2], $0x1  }
0x93: {  	_ =	swait.eq [sflag:s15], $0x1  }
0x94: {  	[sflag:s15] =	ssyncset.done $0x0  }
0x95: {  	[sflag:s15] =	ssyncadd.s32 $0xFFFFFFFF  }
0x96: {  	s16 =	sld [smem:$0x14];
	(tm) =	ssettm $0x1  }
0x97: {  	s17 =	sld [smem:$0x3FFB];
	_ =	sdelay $0x3  }
0x98: {  	_ =	strace s17  }
0x99: {  	s3 =	sld [smem:$0x3FFC];
	_ =	sdelay $0x3  }
0x9a: {  	_ =	strace s3  }
0x9b: {  	s3 =	sld [smem:$0x3FFD];
	_ =	sdelay $0x3  }
0x9c: {  	_ =	strace s3  }
0x9d: {  	_ =	strace $0x8FFFFFFF  }
0x9e: {  	s18 =	sld [smem:$0x3FDB];
	_ =	sdelay $0x1  }
0x9f: {  	s19 =	simm.s32 $_scs_section_size  }
0xa0: {  	s5 =	simm.s32 $_size__tile_overlayer_lowered;
	s6 =	simm.s32 $_tile_overlayer_lowered  }
0xa1: {  	s22 =	simm.s32 $0x1BFF;
	s21 =	sshll.u32 s6, $0x1;
	s3 =	sadd.s32 s19, s18  }
0xa2: {  	s7 =	simm.s32 $0x0;
	s20 =	sshll.u32 s5, $0x1;
	s5 =	sadd.s32 s21, s3  }
0xa3: {  	[timem:s7], [sflag:s22] =	dma.local [hbm:s5], s20  }
0xa4: {  	_ =	swait.ge [sflag:s22], s20  }
0xa5: {  	s4 =	ssub.s32 $0x0, s20;
	[sflag:s22] =	ssyncset.done $0x0  }
0xa6: {  	[sflag:s22] =	ssyncadd.s32 s4;
	_ =	sdelay $0x1  }
0xa7: {  	s23 =	simm.s32 $0x1B8B  }
0xa8: {  	_ =	swait.ge [sflag:s23], $0x1  }
0xa9: {  	[sflag:s23] =	ssyncset.done $0x0  }
0xaa: {  	s25 =	simm.s32 $0x1B8E;
	s24 =	sld [smem:$0x3FFE];
	[sflag:s23] =	ssyncadd.s32 $0xFFFFFFFF  }
0xab: {  	s26 =	simm.s32 $execute0_lowered;
	[smem:$0x3FD2] =	sst s25  }
0xac: {  	s5 =	sshll.u32 s26, $0x1;
	_ =	strace $0x80000049;
	[dreg:$0x1] =	wrdreg $0xFFFFFFFF  }
0xad: {  	s28 =	simm.s32 $_size_execute0_lowered;
	s3 =	sadd.s32 s3, s5;
	[dreg:$0x0] =	wrdreg $0x0  }
0xae: {  	s5 =	sshll.u32 s28, $0x1;
	[dreg:$0x2] =	wrdreg s3  }
0xaf: {  	[dreg:$0x3] =	wrdreg s5  }
0xb0: {  	[dreg:$0x4] =	wrdreg $0xC0  }
0xb1: {  	_ =	task [dreg:s7], $0x5FFFF  }
0xb2: {  	[dreg:$0x1] =	wrdreg $0xFFFFFFFF  }
0xb3: {  	[dreg:$0x0] =	wrdreg $0x60  }
0xb4: {  	[dreg:$0x2] =	wrdreg s24  }
0xb5: {  	[dreg:$0x3] =	wrdreg s16  }
0xb6: {  	[dreg:$0x4] =	wrdreg $0x0  }
0xb7: {  	[dreg:$0x5] =	wrdreg $0x9  }
0xb8: {  	_ =	task.clear_ibuf [dreg:s7], $0x6FFFF;
	_ =	strace $0x90000049  }
0xb9: {  	s29 =	simm.s32 $0x9;
	_ =	strace $0x8000004B  }
0xba: {  	_ =	swait.ge [sflag:s29], $0x1  }
0xbb: {  	[sflag:s29] =	ssyncadd.s32 $0xFFFFFFFF  }
0xbc: {  	_ =	strace $0x9000004B  }
0xbd: {  	_ =	sfence  }
0xbe: {  	s30 =	sld [smem:$0x0];
	_ =	sdelay $0x2  }
0xbf: {  	s31 =	sshll.u32 s1, $0xD;
	s1 =	sshrl.u32 s1, $0x2  }
0xc0: {  	s3 =	sand.u32 $0x4000, s31;
	s1 =	sadd.s32 s1, s30  }
0xc1: {  	s0 =	sor.u32 s3, s0;
	s1 =	sshll.u32 s1, $0x11  }
0xc2: {  	s0 =	sor.u32 s1, s0  }
0xc3: {  	s0 =	sadd.s32 $0x8F2B, s0  }
0xc4: {  	[sflag:s0] =	ssyncadd.remote.s32 $0x1  }
0xc5: {  	_ =	sfence.sel $0xFFFF  }
0xc6: {  	[dreg:$0x0] =	wrdreg $0xFFFFFFFF;
	(pc) =	sbr.abs _section_cstart, $3  }
0xc7: {  	[dreg:$0x1] =	wrdreg $0xFFFFFFFF  }
0xc8: {  	_ =	task.clear_ibuf [dreg:s7], $0x2FFFF;
	_ =	strace $0x9FFFFFFF  }
0xc9: {  	(tm) =	ssettm $0x7FFFFFFF  }
tec
execute0_lowered:
.L_overlay_start_1:
0x0: {  	(tag) =	ssettag $0x1  }
0x1: {  	s0 =	rddreg [dreg:$0x0]  }
0x2: {  	s2 =	rddreg [dreg:$0x1];
	s1 =	srdreg.scid  }
0x3: {  	s3 =	rddreg [dreg:$0x2];
	s4 =	simm.s32 $0x0;
	s16 =	simm.s32 $0x2  }
0x4: {  	s28 =	simm.s32 $0x10;
	s29 =	simm.s32 $0x18200;
	s30 =	simm.s32 $0x0  }
0x5: {  	s6 =	sand.u32 $0x1, s1;
	s1 =	stileid.u32;
	[smem:$0x7FF] =	sst s4  }
0x6: {  	s13 =	sadd.s32 $0xAA00, s0;
	s12 =	sadd.s32 $0xC00, s0;
	s5 =	smul.u32 $0x140000, s6  }
0x7: {  	s19 =	sadd.s32 $0x12C000, s3;
	s7 =	smul.u32 $0x14000, s1;
	_ =	strace $0x8000004A  }
0x8: {  	s8 =	ssub.s32 $0x2, s6;
	p2 =	seq.s32 s6, $0x0;
	s21 =	smul.u32 $0x50000, s1  }
0x9: {  	p4 =	sne.s32 s1, $0xF;
	p1 =	seq.s32 s1, $0xF;
	s9 =	smul.u32 $0x2800, s1  }
0xa: {  	s22 =	sshll.u32 s6, $0x4;
	p3 =	seq.s32 s6, $0x1;
	s10 =	smul.u32 $0x27100, s6  }
0xb: {  	s14 =	smul.u32 $0x2710, s1;
	s26 =	sshll.u32 s1, $0x6;
	s31 =	sshrl.u32 s19, $0x3  }
0xc: {  	s20 =	sshrl.u32 s8, $0x1;
	p0 =	por !p2, !p4;
	p2 =	por !p2, !p1  }
0xd: {  	p4 =	por !p4, !p3;
	[dreg:$0x5] =	wrdreg s31;
	s7 =	sadd.s32 s7, s5  }
0xe: {  	s5 =	sadd.s32 $0x14800, s0;
	s11 =	ssub.s32 s8, s20;
	p0 =	por !p0, !p0  }
0xf: {  	p2 =	por !p2, !p2;
	s8 =	sor.u32 s1, s22;
	s24 =	sadd.s32 s2, s9  }
0x10: {  	p4 =	por !p4, !p4;
	s14 =	sadd.s32 s14, s10;
	s20 =	simm.s32 $0x14000  }
0x11: {  	s22 =	simm.s32 $0x80;
	s7 =	sshrl.u32 s7, $0x3;
	s8 =	smul.u32 $0x2710, s8  }
0x12: {  	[dreg:$0x4] =	wrdreg s24;
	s25 =	sshrl.u32 s14, $0x3;
	s11 =	smax.u32 s11, $0x1  }
0x13: {  	s14 =	sor.u32 $0x1C02, s26;
	s24 =	simm.s32 $0x1;
	s26 =	simm.s32 $0x14180  }
0x14: {  	s0 =	sadd.s32 s7, s0;
	s7 =	sshrl.u32 s21, $0x2;
	s21 =	simm.s32 $0x14080  }
0x15: {  	s18 =	sadd.s32 s7, s3;
	s23 =	sshrl.u32 s8, $0x3;
	s7 =	sadd.s32 s5, s9  }
0x16: {  	s10 =	sadd.s32 $0x3BA00, s0;
	s0 =	sshll.u32 @p4 s1, $0x6;
	s15 =	sadd.s32 $0x4E0, s23  }
0x17: {  	s17 =	sor.u32 @p4 $0x1C02, s0;
	s23 =	simm.s32 $0x14200;
	s8 =	sadd.s32 s13, s15  }
0x18: {  	s9 =	sadd.s32 s12, s15;
	s12 =	sadd.s32 s25, s12;
	s13 =	sadd.s32 s25, s13  }
0x19: {  	s15 =	sshrl.u32 s18, $0x3;
	s18 =	sshrl.u32 @p4 s18, $0x3;
	s25 =	simm.s32 $0x14100  }
.LBB2_1:
.Ltmp0:
0x1a: {  	(pc) =	sbr.rel @!p0 .LBB2_3-.Ltmp0, $1  }
0x1b: {  	_ =	sdelay $0x3  }
.Ltmp1:
0x1c: {  	s0 =	rddreg [dreg:$0x4];
	(pc) =	sbr.rel .LBB2_4-.Ltmp1, $4  }
0x1d: {  	[spmem:s15], [sflag:s14] =	dma.local [hbm:s0], $0x2800  }
0x1e: {  	_ =	swait.ge [sflag:s16], $0x2800  }
0x1f: {  	[sflag:s16] =	ssyncset.done $0x0  }
0x20: {  	p5 =	por $0x0, $0x0;
	[sflag:s16] =	ssyncadd.s32 $0xFFFFD800  }
.LBB2_3:
.Ltmp2:
0x21: {  	(pc) =	sbr.rel @p2 .LBB2_5-.Ltmp2, $2  }
0x22: {  	_ =	sdelay $0x2  }
0x23: {  	s31 =	simm.s32 $0xF;
	p5 =	por p1, p1;
	s0 =	smov.u32 s2  }
.LBB2_4:
0x24: {  	[spmem:s18], [sflag:s17] =	dma.local @p4 [hbm:s7], $0x2800  }
0x25: {  	p6 =	por @p4 $0x1, $0x1  }
0x26: {  	p6 =	por @!p4 p3, p3  }
0x27: {  	p5 =	por !p6, !p5  }
0x28: {  	p5 =	por !p5, !p5  }
.Ltmp3:
0x29: {  	_ = 	snop;
	(pc) =	sbr.rel @!p5 .LBB2_6-.Ltmp3, $4  }
0x2a: {  	s0 =	simm.s32 @p4 $0x2  }
0x2b: {  	_ =	swait.ge @p4 [sflag:s0], $0x2800  }
0x2c: {  	[sflag:s0] =	ssyncset.done @p4 $0x0  }
0x2d: {  	s31 =	stileid.u32;
	[sflag:s0] =	ssyncadd.s32 @p4 $0xFFFFD800;
	s0 =	smov.u32 s5  }
.LBB2_5:
0x2e: {  	s31 =	sshll.u32 s31, $0x6  }
0x2f: {  	s0 =	sadd.s32 $0x25800, s0;
	s1 =	rddreg [dreg:$0x5];
	s31 =	sor.u32 $0x1C02, s31  }
0x30: {  	[spmem:s1], [sflag:s31] =	dma.local [hbm:s0], $0x1900  }
0x31: {  	_ =	swait.ge [sflag:s16], $0x1900  }
0x32: {  	[sflag:s16] =	ssyncset.done $0x0  }
0x33: {  	[sflag:s16] =	ssyncadd.s32 $0xFFFFE700  }
.LBB2_6:
0x34: {  	[bflag:$0x0] =	sbarrier.arrive $0xFFFF;
	s0 =	sadd.s32 $0x0, s13  }
0x35: {  	[tilespmem:s20], [sflag:$0x2] =	stream.linear.gather [hbm4b:s0+s4], $0x80, $0x38;
	[tilespmem:$0x18A00] =	vst v63  }
0x36: {  	_ =	swait.ge [sflag:s16], $0x80  }
0x37: {  	[sflag:s16] =	ssyncset.done $0x0  }
0x38: {  	s19 =	sadd.s32 $0x0, s12;
	[sflag:s16] =	ssyncadd.s32 $0xFFFFFF80  }
0x39: {  	[tilespmem:s21], [sflag:$0x2] =	stream.linear.gather [hbm4b:s19+s4], $0x80, $0x38;
	[tilespmem:$0x18A00] =	vst v63  }
0x3a: {  	_ =	swait.ge [sflag:s16], $0x80  }
0x3b: {  	[sflag:s16] =	ssyncset.done $0x0  }
0x3c: {  	[sflag:s16] =	ssyncadd.s32 $0xFFFFFF80  }
0x3d: {  	[tilespmem:s23], [sflag:$0x1] =	stream.indirect.gather [hbm4b:s2+s22], $0x80, s20, s22, $0xb8;
	[tilespmem:$0x18A00] =	vst v63  }
0x3e: {  	_ =	swait.ge [sflag:s24], $0x4000  }
0x3f: {  	[sflag:s24] =	ssyncset.done $0x0  }
0x40: {  	[sflag:s24] =	ssyncadd.s32 $0xFFFFC000  }
0x41: {  	[spmem:s3] =	stream.indirect.scatter.add.f32 [tilespmem:s23], [sflag:$0x2], $0x80, s21, s22, $0xb8;
	[tilespmem:$0x18A00] =	vst v63  }
0x42: {  	_ =	swait.ge [sflag:s16], $0x4000  }
0x43: {  	s31 =	simm.s32 $0x10;
	s0 =	simm.s32 $0x20;
	[sflag:s16] =	ssyncset.done $0x0  }
.LBB2_7:
0x44: {  	s1 =	sadd.s32 s31, s13  }
0x45: {  	[sflag:s16] =	ssyncadd.s32 $0xFFFFC000;
	s6 =	smov.u32 s0;
	s19 =	sadd.s32 $0x10, s0  }
0x46: {  	[tilespmem:s20], [sflag:$0x2] =	stream.linear.gather [hbm4b:s1+s4], $0x80, $0x38;
	[tilespmem:$0x18A00] =	vst v63  }
0x47: {  	p5 =	sne.s32 s0, $0x4D0;
	_ =	swait.ge [sflag:s16], $0x80  }
0x48: {  	[sflag:s16] =	ssyncset.done $0x0  }
0x49: {  	s0 =	sadd.s32 s31, s12;
	s31 =	smov.u32 s6;
	[sflag:s16] =	ssyncadd.s32 $0xFFFFFF80  }
0x4a: {  	[tilespmem:s21], [sflag:$0x2] =	stream.linear.gather [hbm4b:s0+s4], $0x80, $0x38;
	[tilespmem:$0x18A00] =	vst v63  }
0x4b: {  	_ =	swait.ge [sflag:s16], $0x80  }
0x4c: {  	[sflag:s16] =	ssyncset.done $0x0  }
0x4d: {  	[sflag:s16] =	ssyncadd.s32 $0xFFFFFF80  }
0x4e: {  	[tilespmem:s23], [sflag:$0x1] =	stream.indirect.gather [hbm4b:s2+s22], $0x80, s20, s22, $0xb8;
	[tilespmem:$0x18A00] =	vst v63  }
0x4f: {  	_ =	swait.ge [sflag:s24], $0x4000  }
.Ltmp4:
0x50: {  	[sflag:s24] =	ssyncset.done $0x0;
	(pc) =	sbr.rel @p5 .LBB2_7-.Ltmp4, $4  }
0x51: {  	[sflag:s24] =	ssyncadd.s32 $0xFFFFC000  }
0x52: {  	[spmem:s3] =	stream.indirect.scatter.add.f32 [tilespmem:s23], [sflag:$0x2], $0x80, s21, s22, $0xb8;
	[tilespmem:$0x18A00] =	vst v63  }
0x53: {  	_ =	swait.ge [sflag:s16], $0x4000  }
0x54: {  	s0 =	smov.u32 s19;
	[sflag:s16] =	ssyncset.done $0x0  }
0x55: {  	s0 =	sadd.s32 s31, s13;
	[sflag:s16] =	ssyncadd.s32 $0xFFFFC000  }
0x56: {  	[tilespmem:s20], [sflag:$0x2] =	stream.linear.gather [hbm4b:s0+s4], $0x80, $0x38;
	[tilespmem:$0x18A00] =	vst v63  }
0x57: {  	_ =	swait.ge [sflag:s16], $0x80  }
0x58: {  	[sflag:s16] =	ssyncset.done $0x0  }
0x59: {  	s31 =	sadd.s32 s31, s12;
	[sflag:s16] =	ssyncadd.s32 $0xFFFFFF80  }
0x5a: {  	[tilespmem:s21], [sflag:$0x2] =	stream.linear.gather [hbm4b:s31+s4], $0x80, $0x38;
	[tilespmem:$0x18A00] =	vst v63  }
0x5b: {  	_ =	swait.ge [sflag:s16], $0x80  }
0x5c: {  	[sflag:s16] =	ssyncset.done $0x0  }
0x5d: {  	[sflag:s16] =	ssyncadd.s32 $0xFFFFFF80  }
0x5e: {  	[tilespmem:s23], [sflag:$0x1] =	stream.indirect.gather [hbm4b:s2+s22], $0x80, s20, s22, $0xb8;
	[tilespmem:$0x18A00] =	vst v63  }
0x5f: {  	_ =	swait.ge [sflag:s24], $0x4000  }
0x60: {  	[sflag:s24] =	ssyncset.done $0x0  }
0x61: {  	[sflag:s24] =	ssyncadd.s32 $0xFFFFC000  }
0x62: {  	[spmem:s3] =	stream.indirect.scatter.add.f32 [tilespmem:s23], [sflag:$0x2], $0x80, s21, s22, $0xb8;
	[tilespmem:$0x18A00] =	vst v63  }
0x63: {  	_ =	swait.ge [sflag:s16], $0x4000  }
0x64: {  	[sflag:s16] =	ssyncset.done $0x0  }
0x65: {  	[sflag:s16] =	ssyncadd.s32 $0xFFFFC000  }
0x66: {  	[tilespmem:s25], [sflag:$0x2] =	stream.linear.gather [hbm4b:s8+s4], $0x10, $0x38;
	[tilespmem:$0x18A00] =	vst v63  }
0x67: {  	_ =	swait.ge [sflag:s16], $0x10  }
0x68: {  	[sflag:s16] =	ssyncset.done $0x0  }
0x69: {  	[sflag:s16] =	ssyncadd.s32 $0xFFFFFFF0  }
0x6a: {  	[tilespmem:s26], [sflag:$0x2] =	stream.linear.gather [hbm4b:s9+s4], $0x10, $0x38;
	[tilespmem:$0x18A00] =	vst v63  }
0x6b: {  	_ =	swait.ge [sflag:s16], $0x10  }
0x6c: {  	[sflag:s16] =	ssyncset.done $0x0  }
0x6d: {  	[sflag:s16] =	ssyncadd.s32 $0xFFFFFFF0  }
0x6e: {  	[tilespmem:s29], [sflag:$0x1] =	stream.indirect.gather [hbm4b:s2+s28], $0x80, s25, s28, $0xb8;
	[tilespmem:$0x18A00] =	vst v63  }
0x6f: {  	_ =	swait.ge [sflag:s24], $0x800  }
0x70: {  	[sflag:s24] =	ssyncset.done $0x0  }
0x71: {  	[sflag:s24] =	ssyncadd.s32 $0xFFFFF800  }
0x72: {  	[spmem:s3] =	stream.indirect.scatter.add.f32 [tilespmem:s29], [sflag:$0x2], $0x80, s26, s28, $0xb8;
	[tilespmem:$0x18A00] =	vst v63  }
0x73: {  	_ =	swait.ge [sflag:s16], $0x800  }
0x74: {  	s30 =	sadd.s32 $0x1, s30;
	[sflag:s16] =	ssyncset.done $0x0  }
0x75: {  	p5 =	sne.s32 s30, s11;
	[sflag:s16] =	ssyncadd.s32 $0xFFFFF800  }
.Ltmp5:
0x76: {  	[bflag:$0x0] =	sbarrier.arrive $0xFFFF;
	(pc) =	sbr.rel @p5 .LBB2_1-.Ltmp5, $4  }
0x77: {  	[hbm:s10], [sflag:s14] =	dma.local [spmem:s15], $0x2800  }
0x78: {  	_ =	swait.ge [sflag:s16], $0x2800  }
0x79: {  	[sflag:s16] =	ssyncset.done $0x0  }
0x7a: {  	[sflag:s16] =	ssyncadd.s32 $0xFFFFD800  }
0x7b: {  	_ =	sfence.sel $0x180000  }
0x7c: {  	[bflag:$0x0] =	sbarrier.arrive $0xFFFF  }
0x7d: {  	_ =	strace $0x9000004A  }
0x7e: {  	s0 =	stileid.u32;
	[bflag:$0x2] =	sbarrier.arrive $0xFFFF  }
0x7f: {  	p0 =	sne.s32 s0, $0x0;
	s0 =	rddreg [dreg:$0x3]  }
0x80: {  	s0 =	sadd.s32 @!p0 $0x100000, s0  }
0x81: {  	[sflag:s0] =	ssyncadd.tile.s32 @!p0 $0x1;
	_ =	shalt  }
.Lfunc_end2:
_tile_overlayer_lowered:
.L_overlay_start_2:
0x82: {  	(tag) =	ssettag $0x2  }
0x83: {  	s0 =	rddreg [dreg:$0x0];
	s2 =	stileid.u32  }
0x84: {  	s1 =	rddreg [dreg:$0x1];
	p0 =	sne.s32 s2, $0x0  }
0x85: {  	s3 =	rddreg [dreg:$0x2];
	[bflag:$0x3] =	sbarrier.arrive $0xFFFF;
	s2 =	simm.s32 @!p0 $0x1C02  }
0x86: {  	[timem:s3], [sflag:s2] =	dma.local @!p0 [hbm:s0], s1  }
0x87: {  	s0 =	simm.s32 @!p0 $0x2  }
0x88: {  	_ =	swait.ge @!p0 [sflag:s0], s1  }
0x89: {  	s1 =	ssub.s32 @!p0 $0x0, s1;
	[sflag:s0] =	ssyncset.done @!p0 $0x0  }
0x8a: {  	[sflag:s0] =	ssyncadd.s32 @!p0 s1  }
0x8b: {  	[bflag:$0x3] =	sbarrier.arrive $0xFFFF  }
0x8c: {  	_ =	shalt  }

// kernel: kernel.15.cloned.1.call-start
scs
__scs_entry_jumppad:
0x0: {  	(pc) =	sbr.rel $0x88, $3  }
0x1: {  	(tag) =	ssettag $0x0;
	lr =	simm.s32 $0x1  }
0x2: {  	[smem:$0x3F95] =	sst lr;
	_ =	strace $0xD0000000  }
0x3: {  	_ = 	snop  }
0x4: {  	_ = 	snop  }
0x5: {  	_ = 	snop  }
0x6: {  	_ = 	snop  }
0x7: {  	_ = 	snop  }
__scs_overlays_trampoline_lowered:
0x8: {  	[smem:$0x3FA4] =	sst s0  }
0x9: {  	[smem:$0x3FA5] =	sst s1  }
0xa: {  	[smem:$0x3FA6] =	sst s2  }
0xb: {  	[smem:$0x3FA7] =	sst s3  }
0xc: {  	[smem:$0x3FA8] =	sst s4  }
0xd: {  	[smem:$0x3FA9] =	sst s5  }
0xe: {  	[smem:$0x3FAA] =	sst s6  }
0xf: {  	[smem:$0x3FAB] =	sst s7  }
0x10: {  	[smem:$0x3FAC] =	sst s8  }
0x11: {  	[smem:$0x3FAD] =	sst s9;
	s0 =	simm.s32 @!p0 $0x0  }
0x12: {  	s1 =	sld [smem:$0x3F93];
	s0 =	simm.s32 @p0 $0x1  }
0x13: {  	[smem:$0x3FAE] =	sst s0;
	s0 =	simm.s32 @!p1 $0x0  }
0x14: {  	s2 =	sld [smem:$0x3F92];
	s0 =	simm.s32 @p1 $0x1  }
0x15: {  	[smem:$0x3FAF] =	sst s0;
	s0 =	simm.s32 @!p2 $0x0  }
0x16: {  	s3 =	sld [smem:$0x3FDB];
	s0 =	simm.s32 @p2 $0x1  }
0x17: {  	s4 =	simm.s32 $0x1BF5;
	[smem:$0x3FB1] =	sst s0  }
0x18: {  	s0 =	sld [smem:$0x3F94];
	_ =	swait.ge [sflag:s4], $0x0  }
0x19: {  	s7 =	sld [smem:$0x3F95]  }
0x1a: {  	s8 =	sadd.s32 $0xFFFFE003, lr  }
0x1b: {  	s9 =	sadd.s32 $0xFFFFFEF7, lr;
	s5 =	simm.s32 $0xFFFFFFFF;
	p2 =	slt.u32 s8, $0xFFFFF086  }
0x1c: {  	p1 =	slt.u32 s9, $0xF7A;
	s5 =	simm.s32 @!p2 $0x0  }
0x1d: {  	s5 =	simm.s32 @p1 $0x1;
	p0 =	seq.s32 s7, s2  }
0x1e: {  	s7 =	smul.u32 @!p0 $0xF7A, s2;
	p2 =	seq.s32 @!p0 s5, $0x0  }
0x1f: {  	s9 =	smul.u32 $0xF7A, s1;
	s8 =	simm.s32 @!p0 $0x1BF5;
	p2 =	por !p2, p0  }
0x20: {  	[sflag:s8] =	ssyncset.s32 @!p0 $0xFFFFF086;
	s6 =	sadd.s32 @!p0 s3, s7;
	s7 =	simm.s32 @!p0 $0x108  }
0x21: {  	s3 =	sadd.s32 s3, s9;
	s6 =	sadd.s32 @!p0 $0x88, s6;
	s7 =	simm.s32 @p2 $0x1082  }
0x22: {  	[simem:s7], [sflag:s8] =	dma.local @!p0 [hbm:s6], $0xF7A  }
0x23: {  	s9 =	sor.u32 $0xD0000000, s2;
	s6 =	simm.s32 $0x108;
	_ =	swait.ge @!p0 [sflag:s8], $0x0  }
0x24: {  	s3 =	sadd.s32 $0x88, s3;
	s6 =	simm.s32 @!p1 $0x1082;
	[sflag:s4] =	ssyncset.s32 $0xFFFFF086  }
0x25: {  	[simem:s6], [sflag:s4] =	dma.local [hbm:s3], $0xF7A  }
0x26: {  	[smem:$0x3F95] =	sst s1;
	(tag) =	ssettag s2;
	_ =	strace s9  }
0x27: {  	s1 =	sld [smem:$0x3FA5]  }
0x28: {  	s2 =	sld [smem:$0x3FA6]  }
0x29: {  	s4 =	sld [smem:$0x3FA8]  }
0x2a: {  	p0 =	seq.s32 s5, $0x0;
	s5 =	sld [smem:$0x3FA9]  }
0x2b: {  	s6 =	sld [smem:$0x3FAA]  }
0x2c: {  	s7 =	sld [smem:$0x3FAB]  }
0x2d: {  	s3 =	simm.s32 $0x108;
	s8 =	sld [smem:$0x3FAC]  }
0x2e: {  	s3 =	simm.s32 @!p0 $0x1082;
	s9 =	sld [smem:$0x3FAD]  }
0x2f: {  	lr =	sadd.s32 s0, s3;
	s0 =	sld [smem:$0x3FA4]  }
0x30: {  	s3 =	sld [smem:$0x3FA7]  }
0x31: {  	[smem:$0x3FB0] =	sst s10  }
0x32: {  	s10 =	sld [smem:$0x3FAE];
	_ =	sdelay $0x3  }
0x33: {  	p0 =	seq.s32 s10, $0x1;
	s10 =	sld [smem:$0x3FB0];
	_ =	sdelay $0x3  }
0x34: {  	[smem:$0x3FB0] =	sst s10  }
0x35: {  	s10 =	sld [smem:$0x3FAF];
	_ =	sdelay $0x3  }
0x36: {  	p1 =	seq.s32 s10, $0x1;
	s10 =	sld [smem:$0x3FB0];
	_ =	sdelay $0x3  }
0x37: {  	[smem:$0x3FB0] =	sst s10  }
0x38: {  	s10 =	sld [smem:$0x3FB1]  }
0x39: {  	_ = 	snop;
	(pc) =	sbr.ind lr, $3  }
0x3a: {  	_ = 	snop  }
0x3b: {  	_ = 	snop  }
0x3c: {  	p2 =	seq.s32 s10, $0x1;
	s10 =	sld [smem:$0x3FB0]  }
0x3d: {  	_ =	shalt  }
0x3e: {  	_ =	shalt  }
0x3f: {  	_ =	shalt  }
0x40: {  	_ =	shalt  }
0x41: {  	_ =	shalt  }
0x42: {  	_ =	shalt  }
0x43: {  	_ =	shalt  }
0x44: {  	_ =	shalt  }
0x45: {  	_ =	shalt  }
0x46: {  	_ =	shalt  }
0x47: {  	_ =	shalt  }
0x48: {  	_ =	shalt  }
0x49: {  	_ =	shalt  }
0x4a: {  	_ =	shalt  }
0x4b: {  	_ =	shalt  }
0x4c: {  	_ =	shalt  }
0x4d: {  	_ =	shalt  }
0x4e: {  	_ =	shalt  }
0x4f: {  	_ =	shalt  }
0x50: {  	_ =	shalt  }
0x51: {  	_ =	shalt  }
0x52: {  	_ =	shalt  }
0x53: {  	_ =	shalt  }
0x54: {  	_ =	shalt  }
0x55: {  	_ =	shalt  }
0x56: {  	_ =	shalt  }
0x57: {  	_ =	shalt  }
0x58: {  	_ =	shalt  }
0x59: {  	_ =	shalt  }
0x5a: {  	_ =	shalt  }
0x5b: {  	_ =	shalt  }
0x5c: {  	_ =	shalt  }
0x5d: {  	_ =	shalt  }
0x5e: {  	_ =	shalt  }
0x5f: {  	_ =	shalt  }
0x60: {  	_ =	shalt  }
0x61: {  	_ =	shalt  }
0x62: {  	_ =	shalt  }
0x63: {  	_ =	shalt  }
0x64: {  	_ =	shalt  }
0x65: {  	_ =	shalt  }
0x66: {  	_ =	shalt  }
0x67: {  	_ =	shalt  }
0x68: {  	_ =	shalt  }
0x69: {  	_ =	shalt  }
0x6a: {  	_ =	shalt  }
0x6b: {  	_ =	shalt  }
0x6c: {  	_ =	shalt  }
0x6d: {  	_ =	shalt  }
0x6e: {  	_ =	shalt  }
0x6f: {  	_ =	shalt  }
0x70: {  	_ =	shalt  }
0x71: {  	_ =	shalt  }
0x72: {  	_ =	shalt  }
0x73: {  	_ =	shalt  }
0x74: {  	_ =	shalt  }
0x75: {  	_ =	shalt  }
0x76: {  	_ =	shalt  }
0x77: {  	_ =	shalt  }
0x78: {  	_ =	shalt  }
0x79: {  	_ =	shalt  }
0x7a: {  	_ =	shalt  }
0x7b: {  	_ =	shalt  }
0x7c: {  	_ =	shalt  }
0x7d: {  	_ =	shalt  }
0x7e: {  	_ =	shalt  }
0x7f: {  	_ =	shalt  }
0x80: {  	_ =	shalt  }
0x81: {  	_ =	shalt  }
0x82: {  	_ =	shalt  }
0x83: {  	_ =	shalt  }
0x84: {  	_ =	shalt  }
0x85: {  	_ =	shalt  }
0x86: {  	_ =	shalt  }
0x87: {  	_ =	shalt  }
.Lfunc_end0:
.L_simem_size_0:
called_computation.2_lowered:
.L_overlay_start_0:
0x88: {  	s2 =	sld [smem:$0x3FD9]  }
0x89: {  	s3 =	sld [smem:$0x3FFE];
	_ =	sdelay $0x1  }
0x8a: {  	s1 =	srdreg.scid  }
0x8b: {  	s0 =	sand.u32 $0x1, s1  }
0x8c: {  	s14 =	sshll.u32 s0, $0xA;
	s2 =	sadd.s32 s3, s2  }
0x8d: {  	s2 =	sadd.s32 s2, s14  }
0x8e: {  	[smem:$0x3FBC] =	sst s2  }
0x8f: {  	_ = 	snop  }
0x90: {  	s2 =	sld [smem:$0x3FD0];
	_ =	sdelay $0x2  }
0x91: {  	s15 =	simm.s32 $0xA;
	s4 =	simm.s32 $0x10  }
0x92: {  	[smem:s4], [sflag:s15] =	dma.local [hbm:s2], $0x1  }
0x93: {  	_ =	swait.eq [sflag:s15], $0x1  }
0x94: {  	[sflag:s15] =	ssyncset.done $0x0  }
0x95: {  	[sflag:s15] =	ssyncadd.s32 $0xFFFFFFFF  }
0x96: {  	s16 =	sld [smem:$0x14];
	(tm) =	ssettm $0x1  }
0x97: {  	s17 =	sld [smem:$0x3FFB];
	_ =	sdelay $0x3  }
0x98: {  	_ =	strace s17  }
0x99: {  	s3 =	sld [smem:$0x3FFC];
	_ =	sdelay $0x3  }
0x9a: {  	_ =	strace s3  }
0x9b: {  	s3 =	sld [smem:$0x3FFD];
	_ =	sdelay $0x3  }
0x9c: {  	_ =	strace s3  }
0x9d: {  	_ =	strace $0x8FFFFFFF  }
0x9e: {  	s18 =	sld [smem:$0x3FDB];
	_ =	sdelay $0x1  }
0x9f: {  	s19 =	simm.s32 $_scs_section_size  }
0xa0: {  	s5 =	simm.s32 $_size__tile_overlayer_lowered;
	s6 =	simm.s32 $_tile_overlayer_lowered  }
0xa1: {  	s22 =	simm.s32 $0x1BFF;
	s21 =	sshll.u32 s6, $0x1;
	s3 =	sadd.s32 s19, s18  }
0xa2: {  	s7 =	simm.s32 $0x0;
	s20 =	sshll.u32 s5, $0x1;
	s5 =	sadd.s32 s21, s3  }
0xa3: {  	[timem:s7], [sflag:s22] =	dma.local [hbm:s5], s20  }
0xa4: {  	_ =	swait.ge [sflag:s22], s20  }
0xa5: {  	s4 =	ssub.s32 $0x0, s20;
	[sflag:s22] =	ssyncset.done $0x0  }
0xa6: {  	[sflag:s22] =	ssyncadd.s32 s4;
	_ =	sdelay $0x1  }
0xa7: {  	s23 =	simm.s32 $0x1B8B  }
0xa8: {  	_ =	swait.ge [sflag:s23], $0x1  }
0xa9: {  	[sflag:s23] =	ssyncset.done $0x0  }
0xaa: {  	s25 =	simm.s32 $0x1B8E;
	s24 =	sld [smem:$0x3FFE];
	[sflag:s23] =	ssyncadd.s32 $0xFFFFFFFF  }
0xab: {  	s26 =	simm.s32 $execute0_lowered;
	[smem:$0x3FD2] =	sst s25  }
0xac: {  	s5 =	sshll.u32 s26, $0x1;
	_ =	strace $0x8000004C;
	[dreg:$0x1] =	wrdreg $0xFFFFFFFF  }
0xad: {  	s28 =	simm.s32 $_size_execute0_lowered;
	s3 =	sadd.s32 s3, s5;
	[dreg:$0x0] =	wrdreg $0x0  }
0xae: {  	s5 =	sshll.u32 s28, $0x1;
	[dreg:$0x2] =	wrdreg s3  }
0xaf: {  	[dreg:$0x3] =	wrdreg s5  }
0xb0: {  	[dreg:$0x4] =	wrdreg $0xC0  }
0xb1: {  	_ =	task [dreg:s7], $0x5FFFF  }
0xb2: {  	[dreg:$0x1] =	wrdreg $0xFFFFFFFF  }
0xb3: {  	[dreg:$0x0] =	wrdreg $0x60  }
0xb4: {  	[dreg:$0x2] =	wrdreg s24  }
0xb5: {  	[dreg:$0x3] =	wrdreg s16  }
0xb6: {  	[dreg:$0x4] =	wrdreg $0x0  }
0xb7: {  	[dreg:$0x5] =	wrdreg $0x9  }
0xb8: {  	_ =	task.clear_ibuf [dreg:s7], $0x6FFFF;
	_ =	strace $0x9000004C  }
0xb9: {  	s29 =	simm.s32 $0x9;
	_ =	strace $0x8000004E  }
0xba: {  	_ =	swait.ge [sflag:s29], $0x1  }
0xbb: {  	[sflag:s29] =	ssyncadd.s32 $0xFFFFFFFF  }
0xbc: {  	_ =	strace $0x9000004E  }
0xbd: {  	_ =	sfence  }
0xbe: {  	s30 =	sld [smem:$0x0];
	_ =	sdelay $0x2  }
0xbf: {  	s31 =	sshll.u32 s1, $0xD;
	s1 =	sshrl.u32 s1, $0x2  }
0xc0: {  	s3 =	sand.u32 $0x4000, s31;
	s1 =	sadd.s32 s1, s30  }
0xc1: {  	s0 =	sor.u32 s3, s0;
	s1 =	sshll.u32 s1, $0x11  }
0xc2: {  	s0 =	sor.u32 s1, s0  }
0xc3: {  	s0 =	sadd.s32 $0x8F2B, s0  }
0xc4: {  	[sflag:s0] =	ssyncadd.remote.s32 $0x1  }
0xc5: {  	_ =	sfence.sel $0xFFFF  }
0xc6: {  	[dreg:$0x0] =	wrdreg $0xFFFFFFFF;
	(pc) =	sbr.abs _section_cstart, $3  }
0xc7: {  	[dreg:$0x1] =	wrdreg $0xFFFFFFFF  }
0xc8: {  	_ =	task.clear_ibuf [dreg:s7], $0x2FFFF;
	_ =	strace $0x9FFFFFFF  }
0xc9: {  	(tm) =	ssettm $0x7FFFFFFF  }
tec
execute0_lowered:
.L_overlay_start_1:
0x0: {  	(tag) =	ssettag $0x1  }
0x1: {  	s0 =	rddreg [dreg:$0x0]  }
0x2: {  	s2 =	rddreg [dreg:$0x1];
	s1 =	srdreg.scid  }
0x3: {  	s3 =	rddreg [dreg:$0x2];
	s4 =	simm.s32 $0x0;
	s16 =	simm.s32 $0x2  }
0x4: {  	s28 =	simm.s32 $0x10;
	s29 =	simm.s32 $0x18200;
	s30 =	simm.s32 $0x0  }
0x5: {  	s6 =	sand.u32 $0x1, s1;
	s1 =	stileid.u32;
	[smem:$0x7FF] =	sst s4  }
0x6: {  	s13 =	sadd.s32 $0xAA00, s0;
	s12 =	sadd.s32 $0xC00, s0;
	s5 =	smul.u32 $0x140000, s6  }
0x7: {  	s19 =	sadd.s32 $0x12C000, s3;
	s7 =	smul.u32 $0x14000, s1;
	_ =	strace $0x8000004D  }
0x8: {  	s8 =	ssub.s32 $0x2, s6;
	p2 =	seq.s32 s6, $0x0;
	s21 =	smul.u32 $0x50000, s1  }
0x9: {  	p4 =	sne.s32 s1, $0xF;
	p1 =	seq.s32 s1, $0xF;
	s9 =	smul.u32 $0x2800, s1  }
0xa: {  	s22 =	sshll.u32 s6, $0x4;
	p3 =	seq.s32 s6, $0x1;
	s10 =	smul.u32 $0x27100, s6  }
0xb: {  	s14 =	smul.u32 $0x2710, s1;
	s26 =	sshll.u32 s1, $0x6;
	s31 =	sshrl.u32 s19, $0x3  }
0xc: {  	s20 =	sshrl.u32 s8, $0x1;
	p0 =	por !p2, !p4;
	p2 =	por !p2, !p1  }
0xd: {  	p4 =	por !p4, !p3;
	[dreg:$0x5] =	wrdreg s31;
	s7 =	sadd.s32 s7, s5  }
0xe: {  	s5 =	sadd.s32 $0x14800, s0;
	s11 =	ssub.s32 s8, s20;
	p0 =	por !p0, !p0  }
0xf: {  	p2 =	por !p2, !p2;
	s8 =	sor.u32 s1, s22;
	s24 =	sadd.s32 s2, s9  }
0x10: {  	p4 =	por !p4, !p4;
	s14 =	sadd.s32 s14, s10;
	s20 =	simm.s32 $0x14000  }
0x11: {  	s22 =	simm.s32 $0x80;
	s7 =	sshrl.u32 s7, $0x3;
	s8 =	smul.u32 $0x2710, s8  }
0x12: {  	[dreg:$0x4] =	wrdreg s24;
	s25 =	sshrl.u32 s14, $0x3;
	s11 =	smax.u32 s11, $0x1  }
0x13: {  	s14 =	sor.u32 $0x1C02, s26;
	s24 =	simm.s32 $0x1;
	s26 =	simm.s32 $0x14180  }
0x14: {  	s0 =	sadd.s32 s7, s0;
	s7 =	sshrl.u32 s21, $0x2;
	s21 =	simm.s32 $0x14080  }
0x15: {  	s18 =	sadd.s32 s7, s3;
	s23 =	sshrl.u32 s8, $0x3;
	s7 =	sadd.s32 s5, s9  }
0x16: {  	s10 =	sadd.s32 $0x3BA00, s0;
	s0 =	sshll.u32 @p4 s1, $0x6;
	s15 =	sadd.s32 $0x4E0, s23  }
0x17: {  	s17 =	sor.u32 @p4 $0x1C02, s0;
	s23 =	simm.s32 $0x14200;
	s8 =	sadd.s32 s13, s15  }
0x18: {  	s9 =	sadd.s32 s12, s15;
	s12 =	sadd.s32 s25, s12;
	s13 =	sadd.s32 s25, s13  }
0x19: {  	s15 =	sshrl.u32 s18, $0x3;
	s18 =	sshrl.u32 @p4 s18, $0x3;
	s25 =	simm.s32 $0x14100  }
.LBB2_1:
.Ltmp0:
0x1a: {  	(pc) =	sbr.rel @!p0 .LBB2_3-.Ltmp0, $1  }
0x1b: {  	_ =	sdelay $0x3  }
.Ltmp1:
0x1c: {  	s0 =	rddreg [dreg:$0x4];
	(pc) =	sbr.rel .LBB2_4-.Ltmp1, $4  }
0x1d: {  	[spmem:s15], [sflag:s14] =	dma.local [hbm:s0], $0x2800  }
0x1e: {  	_ =	swait.ge [sflag:s16], $0x2800  }
0x1f: {  	[sflag:s16] =	ssyncset.done $0x0  }
0x20: {  	p5 =	por $0x0, $0x0;
	[sflag:s16] =	ssyncadd.s32 $0xFFFFD800  }
.LBB2_3:
.Ltmp2:
0x21: {  	(pc) =	sbr.rel @p2 .LBB2_5-.Ltmp2, $2  }
0x22: {  	_ =	sdelay $0x2  }
0x23: {  	s31 =	simm.s32 $0xF;
	p5 =	por p1, p1;
	s0 =	smov.u32 s2  }
.LBB2_4:
0x24: {  	[spmem:s18], [sflag:s17] =	dma.local @p4 [hbm:s7], $0x2800  }
0x25: {  	p6 =	por @p4 $0x1, $0x1  }
0x26: {  	p6 =	por @!p4 p3, p3  }
0x27: {  	p5 =	por !p6, !p5  }
0x28: {  	p5 =	por !p5, !p5  }
.Ltmp3:
0x29: {  	_ = 	snop;
	(pc) =	sbr.rel @!p5 .LBB2_6-.Ltmp3, $4  }
0x2a: {  	s0 =	simm.s32 @p4 $0x2  }
0x2b: {  	_ =	swait.ge @p4 [sflag:s0], $0x2800  }
0x2c: {  	[sflag:s0] =	ssyncset.done @p4 $0x0  }
0x2d: {  	s31 =	stileid.u32;
	[sflag:s0] =	ssyncadd.s32 @p4 $0xFFFFD800;
	s0 =	smov.u32 s5  }
.LBB2_5:
0x2e: {  	s31 =	sshll.u32 s31, $0x6  }
0x2f: {  	s0 =	sadd.s32 $0x25800, s0;
	s1 =	rddreg [dreg:$0x5];
	s31 =	sor.u32 $0x1C02, s31  }
0x30: {  	[spmem:s1], [sflag:s31] =	dma.local [hbm:s0], $0x1900  }
0x31: {  	_ =	swait.ge [sflag:s16], $0x1900  }
0x32: {  	[sflag:s16] =	ssyncset.done $0x0  }
0x33: {  	[sflag:s16] =	ssyncadd.s32 $0xFFFFE700  }
.LBB2_6:
0x34: {  	[bflag:$0x0] =	sbarrier.arrive $0xFFFF;
	s0 =	sadd.s32 $0x0, s13  }
0x35: {  	[tilespmem:s20], [sflag:$0x2] =	stream.linear.gather [hbm4b:s0+s4], $0x80, $0x38;
	[tilespmem:$0x18A00] =	vst v63  }
0x36: {  	_ =	swait.ge [sflag:s16], $0x80  }
0x37: {  	[sflag:s16] =	ssyncset.done $0x0  }
0x38: {  	s19 =	sadd.s32 $0x0, s12;
	[sflag:s16] =	ssyncadd.s32 $0xFFFFFF80  }
0x39: {  	[tilespmem:s21], [sflag:$0x2] =	stream.linear.gather [hbm4b:s19+s4], $0x80, $0x38;
	[tilespmem:$0x18A00] =	vst v63  }
0x3a: {  	_ =	swait.ge [sflag:s16], $0x80  }
0x3b: {  	[sflag:s16] =	ssyncset.done $0x0  }
0x3c: {  	[sflag:s16] =	ssyncadd.s32 $0xFFFFFF80  }
0x3d: {  	[tilespmem:s23], [sflag:$0x1] =	stream.indirect.gather [hbm4b:s2+s22], $0x80, s20, s22, $0xb8;
	[tilespmem:$0x18A00] =	vst v63  }
0x3e: {  	_ =	swait.ge [sflag:s24], $0x4000  }
0x3f: {  	[sflag:s24] =	ssyncset.done $0x0  }
0x40: {  	[sflag:s24] =	ssyncadd.s32 $0xFFFFC000  }
0x41: {  	[spmem:s3] =	stream.indirect.scatter.add.f32 [tilespmem:s23], [sflag:$0x2], $0x80, s21, s22, $0xb8;
	[tilespmem:$0x18A00] =	vst v63  }
0x42: {  	_ =	swait.ge [sflag:s16], $0x4000  }
0x43: {  	s31 =	simm.s32 $0x10;
	s0 =	simm.s32 $0x20;
	[sflag:s16] =	ssyncset.done $0x0  }
.LBB2_7:
0x44: {  	s1 =	sadd.s32 s31, s13  }
0x45: {  	[sflag:s16] =	ssyncadd.s32 $0xFFFFC000;
	s6 =	smov.u32 s0;
	s19 =	sadd.s32 $0x10, s0  }
0x46: {  	[tilespmem:s20], [sflag:$0x2] =	stream.linear.gather [hbm4b:s1+s4], $0x80, $0x38;
	[tilespmem:$0x18A00] =	vst v63  }
0x47: {  	p5 =	sne.s32 s0, $0x4D0;
	_ =	swait.ge [sflag:s16], $0x80  }
0x48: {  	[sflag:s16] =	ssyncset.done $0x0  }
0x49: {  	s0 =	sadd.s32 s31, s12;
	s31 =	smov.u32 s6;
	[sflag:s16] =	ssyncadd.s32 $0xFFFFFF80  }
0x4a: {  	[tilespmem:s21], [sflag:$0x2] =	stream.linear.gather [hbm4b:s0+s4], $0x80, $0x38;
	[tilespmem:$0x18A00] =	vst v63  }
0x4b: {  	_ =	swait.ge [sflag:s16], $0x80  }
0x4c: {  	[sflag:s16] =	ssyncset.done $0x0  }
0x4d: {  	[sflag:s16] =	ssyncadd.s32 $0xFFFFFF80  }
0x4e: {  	[tilespmem:s23], [sflag:$0x1] =	stream.indirect.gather [hbm4b:s2+s22], $0x80, s20, s22, $0xb8;
	[tilespmem:$0x18A00] =	vst v63  }
0x4f: {  	_ =	swait.ge [sflag:s24], $0x4000  }
.Ltmp4:
0x50: {  	[sflag:s24] =	ssyncset.done $0x0;
	(pc) =	sbr.rel @p5 .LBB2_7-.Ltmp4, $4  }
0x51: {  	[sflag:s24] =	ssyncadd.s32 $0xFFFFC000  }
0x52: {  	[spmem:s3] =	stream.indirect.scatter.add.f32 [tilespmem:s23], [sflag:$0x2], $0x80, s21, s22, $0xb8;
	[tilespmem:$0x18A00] =	vst v63  }
0x53: {  	_ =	swait.ge [sflag:s16], $0x4000  }
0x54: {  	s0 =	smov.u32 s19;
	[sflag:s16] =	ssyncset.done $0x0  }
0x55: {  	s0 =	sadd.s32 s31, s13;
	[sflag:s16] =	ssyncadd.s32 $0xFFFFC000  }
0x56: {  	[tilespmem:s20], [sflag:$0x2] =	stream.linear.gather [hbm4b:s0+s4], $0x80, $0x38;
	[tilespmem:$0x18A00] =	vst v63  }
0x57: {  	_ =	swait.ge [sflag:s16], $0x80  }
0x58: {  	[sflag:s16] =	ssyncset.done $0x0  }
0x59: {  	s31 =	sadd.s32 s31, s12;
	[sflag:s16] =	ssyncadd.s32 $0xFFFFFF80  }
0x5a: {  	[tilespmem:s21], [sflag:$0x2] =	stream.linear.gather [hbm4b:s31+s4], $0x80, $0x38;
	[tilespmem:$0x18A00] =	vst v63  }
0x5b: {  	_ =	swait.ge [sflag:s16], $0x80  }
0x5c: {  	[sflag:s16] =	ssyncset.done $0x0  }
0x5d: {  	[sflag:s16] =	ssyncadd.s32 $0xFFFFFF80  }
0x5e: {  	[tilespmem:s23], [sflag:$0x1] =	stream.indirect.gather [hbm4b:s2+s22], $0x80, s20, s22, $0xb8;
	[tilespmem:$0x18A00] =	vst v63  }
0x5f: {  	_ =	swait.ge [sflag:s24], $0x4000  }
0x60: {  	[sflag:s24] =	ssyncset.done $0x0  }
0x61: {  	[sflag:s24] =	ssyncadd.s32 $0xFFFFC000  }
0x62: {  	[spmem:s3] =	stream.indirect.scatter.add.f32 [tilespmem:s23], [sflag:$0x2], $0x80, s21, s22, $0xb8;
	[tilespmem:$0x18A00] =	vst v63  }
0x63: {  	_ =	swait.ge [sflag:s16], $0x4000  }
0x64: {  	[sflag:s16] =	ssyncset.done $0x0  }
0x65: {  	[sflag:s16] =	ssyncadd.s32 $0xFFFFC000  }
0x66: {  	[tilespmem:s25], [sflag:$0x2] =	stream.linear.gather [hbm4b:s8+s4], $0x10, $0x38;
	[tilespmem:$0x18A00] =	vst v63  }
0x67: {  	_ =	swait.ge [sflag:s16], $0x10  }
0x68: {  	[sflag:s16] =	ssyncset.done $0x0  }
0x69: {  	[sflag:s16] =	ssyncadd.s32 $0xFFFFFFF0  }
0x6a: {  	[tilespmem:s26], [sflag:$0x2] =	stream.linear.gather [hbm4b:s9+s4], $0x10, $0x38;
	[tilespmem:$0x18A00] =	vst v63  }
0x6b: {  	_ =	swait.ge [sflag:s16], $0x10  }
0x6c: {  	[sflag:s16] =	ssyncset.done $0x0  }
0x6d: {  	[sflag:s16] =	ssyncadd.s32 $0xFFFFFFF0  }
0x6e: {  	[tilespmem:s29], [sflag:$0x1] =	stream.indirect.gather [hbm4b:s2+s28], $0x80, s25, s28, $0xb8;
	[tilespmem:$0x18A00] =	vst v63  }
0x6f: {  	_ =	swait.ge [sflag:s24], $0x800  }
0x70: {  	[sflag:s24] =	ssyncset.done $0x0  }
0x71: {  	[sflag:s24] =	ssyncadd.s32 $0xFFFFF800  }
0x72: {  	[spmem:s3] =	stream.indirect.scatter.add.f32 [tilespmem:s29], [sflag:$0x2], $0x80, s26, s28, $0xb8;
	[tilespmem:$0x18A00] =	vst v63  }
0x73: {  	_ =	swait.ge [sflag:s16], $0x800  }
0x74: {  	s30 =	sadd.s32 $0x1, s30;
	[sflag:s16] =	ssyncset.done $0x0  }
0x75: {  	p5 =	sne.s32 s30, s11;
	[sflag:s16] =	ssyncadd.s32 $0xFFFFF800  }
.Ltmp5:
0x76: {  	[bflag:$0x0] =	sbarrier.arrive $0xFFFF;
	(pc) =	sbr.rel @p5 .LBB2_1-.Ltmp5, $4  }
0x77: {  	[hbm:s10], [sflag:s14] =	dma.local [spmem:s15], $0x2800  }
0x78: {  	_ =	swait.ge [sflag:s16], $0x2800  }
0x79: {  	[sflag:s16] =	ssyncset.done $0x0  }
0x7a: {  	[sflag:s16] =	ssyncadd.s32 $0xFFFFD800  }
0x7b: {  	_ =	sfence.sel $0x180000  }
0x7c: {  	[bflag:$0x0] =	sbarrier.arrive $0xFFFF  }
0x7d: {  	_ =	strace $0x9000004D  }
0x7e: {  	s0 =	stileid.u32;
	[bflag:$0x2] =	sbarrier.arrive $0xFFFF  }
0x7f: {  	p0 =	sne.s32 s0, $0x0;
	s0 =	rddreg [dreg:$0x3]  }
0x80: {  	s0 =	sadd.s32 @!p0 $0x100000, s0  }
0x81: {  	[sflag:s0] =	ssyncadd.tile.s32 @!p0 $0x1;
	_ =	shalt  }
.Lfunc_end2:
_tile_overlayer_lowered:
.L_overlay_start_2:
0x82: {  	(tag) =	ssettag $0x2  }
0x83: {  	s0 =	rddreg [dreg:$0x0];
	s2 =	stileid.u32  }
0x84: {  	s1 =	rddreg [dreg:$0x1];
	p0 =	sne.s32 s2, $0x0  }
0x85: {  	s3 =	rddreg [dreg:$0x2];
	[bflag:$0x3] =	sbarrier.arrive $0xFFFF;
	s2 =	simm.s32 @!p0 $0x1C02  }
0x86: {  	[timem:s3], [sflag:s2] =	dma.local @!p0 [hbm:s0], s1  }
0x87: {  	s0 =	simm.s32 @!p0 $0x2  }
0x88: {  	_ =	swait.ge @!p0 [sflag:s0], s1  }
0x89: {  	s1 =	ssub.s32 @!p0 $0x0, s1;
	[sflag:s0] =	ssyncset.done @!p0 $0x0  }
0x8a: {  	[sflag:s0] =	ssyncadd.s32 @!p0 s1  }
0x8b: {  	[bflag:$0x3] =	sbarrier.arrive $0xFFFF  }
0x8c: {  	_ =	shalt  }

// kernel: kernel.18.cloned.1.call-start
scs
__scs_entry_jumppad:
0x0: {  	(pc) =	sbr.rel $0x88, $3  }
0x1: {  	(tag) =	ssettag $0x0;
	lr =	simm.s32 $0x1  }
0x2: {  	[smem:$0x3F95] =	sst lr;
	_ =	strace $0xD0000000  }
0x3: {  	_ = 	snop  }
0x4: {  	_ = 	snop  }
0x5: {  	_ = 	snop  }
0x6: {  	_ = 	snop  }
0x7: {  	_ = 	snop  }
__scs_overlays_trampoline_lowered:
0x8: {  	[smem:$0x3FA4] =	sst s0  }
0x9: {  	[smem:$0x3FA5] =	sst s1  }
0xa: {  	[smem:$0x3FA6] =	sst s2  }
0xb: {  	[smem:$0x3FA7] =	sst s3  }
0xc: {  	[smem:$0x3FA8] =	sst s4  }
0xd: {  	[smem:$0x3FA9] =	sst s5  }
0xe: {  	[smem:$0x3FAA] =	sst s6  }
0xf: {  	[smem:$0x3FAB] =	sst s7  }
0x10: {  	[smem:$0x3FAC] =	sst s8  }
0x11: {  	[smem:$0x3FAD] =	sst s9;
	s0 =	simm.s32 @!p0 $0x0  }
0x12: {  	s1 =	sld [smem:$0x3F93];
	s0 =	simm.s32 @p0 $0x1  }
0x13: {  	[smem:$0x3FAE] =	sst s0;
	s0 =	simm.s32 @!p1 $0x0  }
0x14: {  	s2 =	sld [smem:$0x3F92];
	s0 =	simm.s32 @p1 $0x1  }
0x15: {  	[smem:$0x3FAF] =	sst s0;
	s0 =	simm.s32 @!p2 $0x0  }
0x16: {  	s3 =	sld [smem:$0x3FDB];
	s0 =	simm.s32 @p2 $0x1  }
0x17: {  	s4 =	simm.s32 $0x1BF5;
	[smem:$0x3FB1] =	sst s0  }
0x18: {  	s0 =	sld [smem:$0x3F94];
	_ =	swait.ge [sflag:s4], $0x0  }
0x19: {  	s7 =	sld [smem:$0x3F95]  }
0x1a: {  	s8 =	sadd.s32 $0xFFFFE003, lr  }
0x1b: {  	s9 =	sadd.s32 $0xFFFFFEF7, lr;
	s5 =	simm.s32 $0xFFFFFFFF;
	p2 =	slt.u32 s8, $0xFFFFF086  }
0x1c: {  	p1 =	slt.u32 s9, $0xF7A;
	s5 =	simm.s32 @!p2 $0x0  }
0x1d: {  	s5 =	simm.s32 @p1 $0x1;
	p0 =	seq.s32 s7, s2  }
0x1e: {  	s7 =	smul.u32 @!p0 $0xF7A, s2;
	p2 =	seq.s32 @!p0 s5, $0x0  }
0x1f: {  	s9 =	smul.u32 $0xF7A, s1;
	s8 =	simm.s32 @!p0 $0x1BF5;
	p2 =	por !p2, p0  }
0x20: {  	[sflag:s8] =	ssyncset.s32 @!p0 $0xFFFFF086;
	s6 =	sadd.s32 @!p0 s3, s7;
	s7 =	simm.s32 @!p0 $0x108  }
0x21: {  	s3 =	sadd.s32 s3, s9;
	s6 =	sadd.s32 @!p0 $0x88, s6;
	s7 =	simm.s32 @p2 $0x1082  }
0x22: {  	[simem:s7], [sflag:s8] =	dma.local @!p0 [hbm:s6], $0xF7A  }
0x23: {  	s9 =	sor.u32 $0xD0000000, s2;
	s6 =	simm.s32 $0x108;
	_ =	swait.ge @!p0 [sflag:s8], $0x0  }
0x24: {  	s3 =	sadd.s32 $0x88, s3;
	s6 =	simm.s32 @!p1 $0x1082;
	[sflag:s4] =	ssyncset.s32 $0xFFFFF086  }
0x25: {  	[simem:s6], [sflag:s4] =	dma.local [hbm:s3], $0xF7A  }
0x26: {  	[smem:$0x3F95] =	sst s1;
	(tag) =	ssettag s2;
	_ =	strace s9  }
0x27: {  	s1 =	sld [smem:$0x3FA5]  }
0x28: {  	s2 =	sld [smem:$0x3FA6]  }
0x29: {  	s4 =	sld [smem:$0x3FA8]  }
0x2a: {  	p0 =	seq.s32 s5, $0x0;
	s5 =	sld [smem:$0x3FA9]  }
0x2b: {  	s6 =	sld [smem:$0x3FAA]  }
0x2c: {  	s7 =	sld [smem:$0x3FAB]  }
0x2d: {  	s3 =	simm.s32 $0x108;
	s8 =	sld [smem:$0x3FAC]  }
0x2e: {  	s3 =	simm.s32 @!p0 $0x1082;
	s9 =	sld [smem:$0x3FAD]  }
0x2f: {  	lr =	sadd.s32 s0, s3;
	s0 =	sld [smem:$0x3FA4]  }
0x30: {  	s3 =	sld [smem:$0x3FA7]  }
0x31: {  	[smem:$0x3FB0] =	sst s10  }
0x32: {  	s10 =	sld [smem:$0x3FAE];
	_ =	sdelay $0x3  }
0x33: {  	p0 =	seq.s32 s10, $0x1;
	s10 =	sld [smem:$0x3FB0];
	_ =	sdelay $0x3  }
0x34: {  	[smem:$0x3FB0] =	sst s10  }
0x35: {  	s10 =	sld [smem:$0x3FAF];
	_ =	sdelay $0x3  }
0x36: {  	p1 =	seq.s32 s10, $0x1;
	s10 =	sld [smem:$0x3FB0];
	_ =	sdelay $0x3  }
0x37: {  	[smem:$0x3FB0] =	sst s10  }
0x38: {  	s10 =	sld [smem:$0x3FB1]  }
0x39: {  	_ = 	snop;
	(pc) =	sbr.ind lr, $3  }
0x3a: {  	_ = 	snop  }
0x3b: {  	_ = 	snop  }
0x3c: {  	p2 =	seq.s32 s10, $0x1;
	s10 =	sld [smem:$0x3FB0]  }
0x3d: {  	_ =	shalt  }
0x3e: {  	_ =	shalt  }
0x3f: {  	_ =	shalt  }
0x40: {  	_ =	shalt  }
0x41: {  	_ =	shalt  }
0x42: {  	_ =	shalt  }
0x43: {  	_ =	shalt  }
0x44: {  	_ =	shalt  }
0x45: {  	_ =	shalt  }
0x46: {  	_ =	shalt  }
0x47: {  	_ =	shalt  }
0x48: {  	_ =	shalt  }
0x49: {  	_ =	shalt  }
0x4a: {  	_ =	shalt  }
0x4b: {  	_ =	shalt  }
0x4c: {  	_ =	shalt  }
0x4d: {  	_ =	shalt  }
0x4e: {  	_ =	shalt  }
0x4f: {  	_ =	shalt  }
0x50: {  	_ =	shalt  }
0x51: {  	_ =	shalt  }
0x52: {  	_ =	shalt  }
0x53: {  	_ =	shalt  }
0x54: {  	_ =	shalt  }
0x55: {  	_ =	shalt  }
0x56: {  	_ =	shalt  }
0x57: {  	_ =	shalt  }
0x58: {  	_ =	shalt  }
0x59: {  	_ =	shalt  }
0x5a: {  	_ =	shalt  }
0x5b: {  	_ =	shalt  }
0x5c: {  	_ =	shalt  }
0x5d: {  	_ =	shalt  }
0x5e: {  	_ =	shalt  }
0x5f: {  	_ =	shalt  }
0x60: {  	_ =	shalt  }
0x61: {  	_ =	shalt  }
0x62: {  	_ =	shalt  }
0x63: {  	_ =	shalt  }
0x64: {  	_ =	shalt  }
0x65: {  	_ =	shalt  }
0x66: {  	_ =	shalt  }
0x67: {  	_ =	shalt  }
0x68: {  	_ =	shalt  }
0x69: {  	_ =	shalt  }
0x6a: {  	_ =	shalt  }
0x6b: {  	_ =	shalt  }
0x6c: {  	_ =	shalt  }
0x6d: {  	_ =	shalt  }
0x6e: {  	_ =	shalt  }
0x6f: {  	_ =	shalt  }
0x70: {  	_ =	shalt  }
0x71: {  	_ =	shalt  }
0x72: {  	_ =	shalt  }
0x73: {  	_ =	shalt  }
0x74: {  	_ =	shalt  }
0x75: {  	_ =	shalt  }
0x76: {  	_ =	shalt  }
0x77: {  	_ =	shalt  }
0x78: {  	_ =	shalt  }
0x79: {  	_ =	shalt  }
0x7a: {  	_ =	shalt  }
0x7b: {  	_ =	shalt  }
0x7c: {  	_ =	shalt  }
0x7d: {  	_ =	shalt  }
0x7e: {  	_ =	shalt  }
0x7f: {  	_ =	shalt  }
0x80: {  	_ =	shalt  }
0x81: {  	_ =	shalt  }
0x82: {  	_ =	shalt  }
0x83: {  	_ =	shalt  }
0x84: {  	_ =	shalt  }
0x85: {  	_ =	shalt  }
0x86: {  	_ =	shalt  }
0x87: {  	_ =	shalt  }
.Lfunc_end0:
.L_simem_size_0:
called_computation.3_lowered:
.L_overlay_start_0:
0x88: {  	s2 =	sld [smem:$0x3FD9]  }
0x89: {  	s3 =	sld [smem:$0x3FFE];
	_ =	sdelay $0x1  }
0x8a: {  	s1 =	srdreg.scid  }
0x8b: {  	s0 =	sand.u32 $0x1, s1  }
0x8c: {  	s16 =	sshll.u32 s0, $0xA;
	s2 =	sadd.s32 s3, s2  }
0x8d: {  	s2 =	sadd.s32 s2, s16  }
0x8e: {  	[smem:$0x3FBC] =	sst s2  }
0x8f: {  	_ = 	snop  }
0x90: {  	(tm) =	ssettm $0x1  }
0x91: {  	s17 =	sld [smem:$0x3FFB];
	_ =	sdelay $0x3  }
0x92: {  	_ =	strace s17  }
0x93: {  	s2 =	sld [smem:$0x3FFC];
	_ =	sdelay $0x3  }
0x94: {  	_ =	strace s2  }
0x95: {  	s2 =	sld [smem:$0x3FFD];
	_ =	sdelay $0x3  }
0x96: {  	_ =	strace s2  }
0x97: {  	_ =	strace $0x8FFFFFFF  }
0x98: {  	s18 =	sld [smem:$0x3FDB];
	_ =	sdelay $0x1  }
0x99: {  	s19 =	simm.s32 $_scs_section_size  }
0x9a: {  	s4 =	simm.s32 $_size__tile_overlayer_lowered;
	s5 =	simm.s32 $_tile_overlayer_lowered  }
0x9b: {  	s22 =	simm.s32 $0x1BFF;
	s21 =	sshll.u32 s5, $0x1;
	s2 =	sadd.s32 s19, s18  }
0x9c: {  	s6 =	simm.s32 $0x0;
	s20 =	sshll.u32 s4, $0x1;
	s4 =	sadd.s32 s21, s2  }
0x9d: {  	[timem:s6], [sflag:s22] =	dma.local [hbm:s4], s20  }
0x9e: {  	_ =	swait.ge [sflag:s22], s20  }
0x9f: {  	s3 =	ssub.s32 $0x0, s20;
	[sflag:s22] =	ssyncset.done $0x0  }
0xa0: {  	[sflag:s22] =	ssyncadd.s32 s3;
	_ =	sdelay $0x1  }
0xa1: {  	s23 =	simm.s32 $0x1B8B  }
0xa2: {  	_ =	swait.ge [sflag:s23], $0x1  }
0xa3: {  	[sflag:s23] =	ssyncset.done $0x0  }
0xa4: {  	s25 =	simm.s32 $0x1B8E;
	s24 =	sld [smem:$0x3FFE];
	[sflag:s23] =	ssyncadd.s32 $0xFFFFFFFF  }
0xa5: {  	s26 =	simm.s32 $execute0_lowered;
	[smem:$0x3FD2] =	sst s25  }
0xa6: {  	s4 =	sshll.u32 s26, $0x1;
	_ =	strace $0x8000004F;
	[dreg:$0x1] =	wrdreg $0xFFFFFFFF  }
0xa7: {  	s28 =	simm.s32 $_size_execute0_lowered;
	s2 =	sadd.s32 s2, s4;
	[dreg:$0x0] =	wrdreg $0x0  }
0xa8: {  	s4 =	sshll.u32 s28, $0x1;
	[dreg:$0x2] =	wrdreg s2  }
0xa9: {  	[dreg:$0x3] =	wrdreg s4  }
0xaa: {  	[dreg:$0x4] =	wrdreg $0xC0  }
0xab: {  	_ =	task [dreg:s6], $0x5FFFF  }
0xac: {  	[dreg:$0x1] =	wrdreg $0xFFFFFFFF  }
0xad: {  	[dreg:$0x0] =	wrdreg $0x60  }
0xae: {  	[dreg:$0x2] =	wrdreg s24  }
0xaf: {  	[dreg:$0x3] =	wrdreg $0x9  }
0xb0: {  	_ =	task.clear_ibuf [dreg:s6], $0x4FFFF;
	_ =	strace $0x9000004F  }
0xb1: {  	s29 =	simm.s32 $0x9;
	_ =	strace $0x80000051  }
0xb2: {  	_ =	swait.ge [sflag:s29], $0x1  }
0xb3: {  	[sflag:s29] =	ssyncadd.s32 $0xFFFFFFFF  }
0xb4: {  	_ =	strace $0x90000051  }
0xb5: {  	_ =	sfence  }
0xb6: {  	s30 =	sld [smem:$0x0];
	_ =	sdelay $0x2  }
0xb7: {  	s31 =	sshll.u32 s1, $0xD;
	s1 =	sshrl.u32 s1, $0x2  }
0xb8: {  	s3 =	sand.u32 $0x4000, s31;
	s1 =	sadd.s32 s1, s30  }
0xb9: {  	s0 =	sor.u32 s3, s0;
	s1 =	sshll.u32 s1, $0x11  }
0xba: {  	s0 =	sor.u32 s1, s0  }
0xbb: {  	s0 =	sadd.s32 $0x8F2B, s0  }
0xbc: {  	[sflag:s0] =	ssyncadd.remote.s32 $0x1  }
0xbd: {  	_ =	sfence.sel $0xFFFF  }
0xbe: {  	[dreg:$0x0] =	wrdreg $0xFFFFFFFF;
	(pc) =	sbr.abs _section_cstart, $3  }
0xbf: {  	[dreg:$0x1] =	wrdreg $0xFFFFFFFF  }
0xc0: {  	_ =	task.clear_ibuf [dreg:s6], $0x2FFFF;
	_ =	strace $0x9FFFFFFF  }
0xc1: {  	(tm) =	ssettm $0x7FFFFFFF  }
tec
execute0_lowered:
.L_overlay_start_1:
0x0: {  	(tag) =	ssettag $0x1  }
0x1: {  	s0 =	srdreg.scid  }
0x2: {  	s13 =	sand.u32 $0x1, s0  }
0x3: {  	s0 =	stileid.u32;
	s1 =	sshll.u32 s13, $0x4  }
0x4: {  	s9 =	sor.u32 s0, s1  }
0x5: {  	s10 =	rddreg [dreg:$0x0];
	s2 =	simm.s32 $0x0;
	s12 =	smul.u32 $0x140, s9  }
0x6: {  	[smem:$0x7FF] =	sst s2  }
0x7: {  	s14 =	sadd.s32 $0x8BA00, s10;
	s1 =	rddreg [dreg:$0x1];
	s3 =	sshrl.u32 s12, $0x3  }
0x8: {  	_ =	strace $0x80000050;
	s4 =	sadd.s32 s14, s3;
	s3 =	simm.s32 $0x2  }
0x9: {  	[tilespmem:s2], [sflag:$0x2] =	stream.linear.gather [hbm4b:s4+s2], $0x80, $0x38;
	[tilespmem:$0x6100] =	vst v63  }
0xa: {  	_ =	swait.ge [sflag:s3], $0x80  }
0xb: {  	s6 =	simm.s32 $0x80;
	s7 =	simm.s32 $0x100;
	[sflag:s3] =	ssyncset.done $0x0  }
0xc: {  	s8 =	simm.s32 $0x1;
	s5 =	sadd.s32 $0xC00, s10;
	[sflag:s3] =	ssyncadd.s32 $0xFFFFFF80  }
0xd: {  	[tilespmem:s7], [sflag:$0x1] =	stream.indirect.gather [hbm4b:s5+s6], $0x80, s2, s6, $0xb8;
	[tilespmem:$0x6100] =	vst v63  }
0xe: {  	s9 =	smul.u32 $0x1400, s9;
	_ =	swait.ge [sflag:s8], $0x4000  }
0xf: {  	s15 =	sadd.s32 $0x27E00, s10;
	[sflag:s8] =	ssyncset.done $0x0  }
0x10: {  	s9 =	sadd.s32 s15, s9;
	[sflag:s8] =	ssyncadd.s32 $0xFFFFC000  }
0x11: {  	[hbm4b:s9+s2] =	stream.linear.scatter [tilespmem:s7], [sflag:$0x2], $0x4000, $0x38;
	[tilespmem:$0x6100] =	vst v63  }
0x12: {  	s11 =	sadd.s32 $0x80, s12;
	_ =	swait.ge [sflag:s3], $0x4000  }
0x13: {  	s30 =	sshrl.u32 s11, $0x3;
	[sflag:s3] =	ssyncset.done $0x0  }
0x14: {  	s10 =	sadd.s32 s14, s30;
	[sflag:s3] =	ssyncadd.s32 $0xFFFFC000  }
0x15: {  	[tilespmem:s2], [sflag:$0x2] =	stream.linear.gather [hbm4b:s10+s2], $0x80, $0x38;
	[tilespmem:$0x6100] =	vst v63  }
0x16: {  	_ =	swait.ge [sflag:s3], $0x80  }
0x17: {  	[sflag:s3] =	ssyncset.done $0x0  }
0x18: {  	[sflag:s3] =	ssyncadd.s32 $0xFFFFFF80  }
0x19: {  	[tilespmem:s7], [sflag:$0x1] =	stream.indirect.gather [hbm4b:s5+s6], $0x80, s2, s6, $0xb8;
	[tilespmem:$0x6100] =	vst v63  }
0x1a: {  	_ =	swait.ge [sflag:s8], $0x4000  }
0x1b: {  	s11 =	sshll.u32 s11, $0x4;
	[sflag:s8] =	ssyncset.done $0x0  }
0x1c: {  	s11 =	sadd.s32 s15, s11;
	[sflag:s8] =	ssyncadd.s32 $0xFFFFC000  }
0x1d: {  	[hbm4b:s11+s2] =	stream.linear.scatter [tilespmem:s7], [sflag:$0x2], $0x4000, $0x38;
	[tilespmem:$0x6100] =	vst v63  }
0x1e: {  	s16 =	sadd.s32 $0x100, s12;
	_ =	swait.ge [sflag:s3], $0x4000  }
0x1f: {  	s12 =	sshrl.u32 s16, $0x3;
	[sflag:s3] =	ssyncset.done $0x0  }
0x20: {  	s17 =	ssub.s32 $0x2, s13;
	s12 =	sadd.s32 s14, s12;
	[sflag:s3] =	ssyncadd.s32 $0xFFFFC000  }
0x21: {  	[tilespmem:s6], [sflag:$0x2] =	stream.linear.gather [hbm4b:s12+s2], $0x40, $0x38;
	[tilespmem:$0x6100] =	vst v63  }
0x22: {  	s18 =	sshrl.u32 s17, $0x1;
	_ =	swait.ge [sflag:s3], $0x40  }
0x23: {  	s13 =	simm.s32 $0x40;
	s17 =	ssub.s32 s17, s18;
	[sflag:s3] =	ssyncset.done $0x0  }
0x24: {  	s31 =	smax.u32 s17, $0x1;
	s14 =	simm.s32 $0x4100;
	[sflag:s3] =	ssyncadd.s32 $0xFFFFFFC0  }
0x25: {  	[tilespmem:s14], [sflag:$0x1] =	stream.indirect.gather [hbm4b:s5+s13], $0x80, s6, s13, $0xb8;
	[tilespmem:$0x6100] =	vst v63  }
0x26: {  	p0 =	sne.s32 s31, $0x1;
	_ =	swait.ge [sflag:s8], $0x2000  }
.Ltmp0:
0x27: {  	s16 =	sshll.u32 s16, $0x4;
	[sflag:s8] =	ssyncset.done $0x0;
	(pc) =	sbr.rel @!p0 .LBB2_2-.Ltmp0, $4  }
0x28: {  	s15 =	sadd.s32 s15, s16;
	[sflag:s8] =	ssyncadd.s32 $0xFFFFE000  }
0x29: {  	[hbm4b:s15+s2] =	stream.linear.scatter [tilespmem:s14], [sflag:$0x2], $0x2000, $0x38;
	[tilespmem:$0x6100] =	vst v63  }
0x2a: {  	_ =	swait.ge [sflag:s3], $0x2000  }
0x2b: {  	s16 =	sadd.s32 $0xFFFFFFFF, s31;
	[sflag:s3] =	ssyncset.done $0x0  }
.LBB2_1:
0x2c: {  	p0 =	sne.s32 s16, $0x1;
	s16 =	sadd.s32 $0xFFFFFFFF, s16;
	[sflag:s3] =	ssyncadd.s32 $0xFFFFE000  }
0x2d: {  	[tilespmem:s2], [sflag:$0x2] =	stream.linear.gather [hbm4b:s4+s2], $0x80, $0x38;
	[tilespmem:$0x6100] =	vst v63  }
0x2e: {  	_ =	swait.ge [sflag:s3], $0x80  }
0x2f: {  	[sflag:s3] =	ssyncset.done $0x0  }
0x30: {  	[sflag:s3] =	ssyncadd.s32 $0xFFFFFF80  }
0x31: {  	[tilespmem:s7], [sflag:$0x1] =	stream.indirect.gather [hbm4b:s5+s6], $0x80, s2, s6, $0xb8;
	[tilespmem:$0x6100] =	vst v63  }
0x32: {  	_ =	swait.ge [sflag:s8], $0x4000  }
0x33: {  	[sflag:s8] =	ssyncset.done $0x0  }
0x34: {  	[sflag:s8] =	ssyncadd.s32 $0xFFFFC000  }
0x35: {  	[hbm4b:s9+s2] =	stream.linear.scatter [tilespmem:s7], [sflag:$0x2], $0x4000, $0x38;
	[tilespmem:$0x6100] =	vst v63  }
0x36: {  	_ =	swait.ge [sflag:s3], $0x4000  }
0x37: {  	[sflag:s3] =	ssyncset.done $0x0  }
0x38: {  	[sflag:s3] =	ssyncadd.s32 $0xFFFFC000  }
0x39: {  	[tilespmem:s2], [sflag:$0x2] =	stream.linear.gather [hbm4b:s10+s2], $0x80, $0x38;
	[tilespmem:$0x6100] =	vst v63  }
0x3a: {  	_ =	swait.ge [sflag:s3], $0x80  }
0x3b: {  	[sflag:s3] =	ssyncset.done $0x0  }
0x3c: {  	[sflag:s3] =	ssyncadd.s32 $0xFFFFFF80  }
0x3d: {  	[tilespmem:s7], [sflag:$0x1] =	stream.indirect.gather [hbm4b:s5+s6], $0x80, s2, s6, $0xb8;
	[tilespmem:$0x6100] =	vst v63  }
0x3e: {  	_ =	swait.ge [sflag:s8], $0x4000  }
0x3f: {  	[sflag:s8] =	ssyncset.done $0x0  }
0x40: {  	[sflag:s8] =	ssyncadd.s32 $0xFFFFC000  }
0x41: {  	[hbm4b:s11+s2] =	stream.linear.scatter [tilespmem:s7], [sflag:$0x2], $0x4000, $0x38;
	[tilespmem:$0x6100] =	vst v63  }
0x42: {  	_ =	swait.ge [sflag:s3], $0x4000  }
0x43: {  	[sflag:s3] =	ssyncset.done $0x0  }
0x44: {  	[sflag:s3] =	ssyncadd.s32 $0xFFFFC000  }
0x45: {  	[tilespmem:s6], [sflag:$0x2] =	stream.linear.gather [hbm4b:s12+s2], $0x40, $0x38;
	[tilespmem:$0x6100] =	vst v63  }
0x46: {  	_ =	swait.ge [sflag:s3], $0x40  }
0x47: {  	[sflag:s3] =	ssyncset.done $0x0  }
0x48: {  	[sflag:s3] =	ssyncadd.s32 $0xFFFFFFC0  }
0x49: {  	[tilespmem:s14], [sflag:$0x1] =	stream.indirect.gather [hbm4b:s5+s13], $0x80, s6, s13, $0xb8;
	[tilespmem:$0x6100] =	vst v63  }
0x4a: {  	_ =	swait.ge [sflag:s8], $0x2000  }
.Ltmp1:
0x4b: {  	[sflag:s8] =	ssyncset.done $0x0;
	(pc) =	sbr.rel @p0 .LBB2_1-.Ltmp1, $4  }
0x4c: {  	[sflag:s8] =	ssyncadd.s32 $0xFFFFE000  }
0x4d: {  	[hbm4b:s15+s2] =	stream.linear.scatter [tilespmem:s14], [sflag:$0x2], $0x2000, $0x38;
	[tilespmem:$0x6100] =	vst v63  }
0x4e: {  	_ =	swait.ge [sflag:s3], $0x2000  }
0x4f: {  	[sflag:s3] =	ssyncset.done $0x0  }
.LBB2_2:
0x50: {  	[sflag:s3] =	ssyncadd.s32 $0xFFFFE000  }
0x51: {  	_ =	sfence.sel $0x180000  }
0x52: {  	[bflag:$0x0] =	sbarrier.arrive $0xFFFF  }
0x53: {  	p0 =	sne.s32 s0, $0x0;
	_ =	strace $0x90000050  }
0x54: {  	s0 =	sadd.s32 @!p0 $0x100000, s1;
	[bflag:$0x2] =	sbarrier.arrive $0xFFFF  }
0x55: {  	[sflag:s0] =	ssyncadd.tile.s32 @!p0 $0x1;
	_ =	shalt  }
.Lfunc_end2:
_tile_overlayer_lowered:
.L_overlay_start_2:
0x56: {  	(tag) =	ssettag $0x2  }
0x57: {  	s0 =	rddreg [dreg:$0x0];
	s2 =	stileid.u32  }
0x58: {  	s1 =	rddreg [dreg:$0x1];
	p0 =	sne.s32 s2, $0x0  }
0x59: {  	s3 =	rddreg [dreg:$0x2];
	[bflag:$0x3] =	sbarrier.arrive $0xFFFF;
	s2 =	simm.s32 @!p0 $0x1C02  }
0x5a: {  	[timem:s3], [sflag:s2] =	dma.local @!p0 [hbm:s0], s1  }
0x5b: {  	s0 =	simm.s32 @!p0 $0x2  }
0x5c: {  	_ =	swait.ge @!p0 [sflag:s0], s1  }
0x5d: {  	s1 =	ssub.s32 @!p0 $0x0, s1;
	[sflag:s0] =	ssyncset.done @!p0 $0x0  }
0x5e: {  	[sflag:s0] =	ssyncadd.s32 @!p0 s1  }
0x5f: {  	[bflag:$0x3] =	sbarrier.arrive $0xFFFF  }
0x60: {  	_ =	shalt  }

// kernel: kernel.9.cloned.1.call-start
scs
__scs_entry_jumppad:
0x0: {  	(pc) =	sbr.rel $0x88, $3  }
0x1: {  	(tag) =	ssettag $0x0;
	lr =	simm.s32 $0x1  }
0x2: {  	[smem:$0x3F95] =	sst lr;
	_ =	strace $0xD0000000  }
0x3: {  	_ = 	snop  }
0x4: {  	_ = 	snop  }
0x5: {  	_ = 	snop  }
0x6: {  	_ = 	snop  }
0x7: {  	_ = 	snop  }
__scs_overlays_trampoline_lowered:
0x8: {  	[smem:$0x3FA4] =	sst s0  }
0x9: {  	[smem:$0x3FA5] =	sst s1  }
0xa: {  	[smem:$0x3FA6] =	sst s2  }
0xb: {  	[smem:$0x3FA7] =	sst s3  }
0xc: {  	[smem:$0x3FA8] =	sst s4  }
0xd: {  	[smem:$0x3FA9] =	sst s5  }
0xe: {  	[smem:$0x3FAA] =	sst s6  }
0xf: {  	[smem:$0x3FAB] =	sst s7  }
0x10: {  	[smem:$0x3FAC] =	sst s8  }
0x11: {  	[smem:$0x3FAD] =	sst s9;
	s0 =	simm.s32 @!p0 $0x0  }
0x12: {  	s1 =	sld [smem:$0x3F93];
	s0 =	simm.s32 @p0 $0x1  }
0x13: {  	[smem:$0x3FAE] =	sst s0;
	s0 =	simm.s32 @!p1 $0x0  }
0x14: {  	s2 =	sld [smem:$0x3F92];
	s0 =	simm.s32 @p1 $0x1  }
0x15: {  	[smem:$0x3FAF] =	sst s0;
	s0 =	simm.s32 @!p2 $0x0  }
0x16: {  	s3 =	sld [smem:$0x3FDB];
	s0 =	simm.s32 @p2 $0x1  }
0x17: {  	s4 =	simm.s32 $0x1BF5;
	[smem:$0x3FB1] =	sst s0  }
0x18: {  	s0 =	sld [smem:$0x3F94];
	_ =	swait.ge [sflag:s4], $0x0  }
0x19: {  	s7 =	sld [smem:$0x3F95]  }
0x1a: {  	s8 =	sadd.s32 $0xFFFFE003, lr  }
0x1b: {  	s9 =	sadd.s32 $0xFFFFFEF7, lr;
	s5 =	simm.s32 $0xFFFFFFFF;
	p2 =	slt.u32 s8, $0xFFFFF086  }
0x1c: {  	p1 =	slt.u32 s9, $0xF7A;
	s5 =	simm.s32 @!p2 $0x0  }
0x1d: {  	s5 =	simm.s32 @p1 $0x1;
	p0 =	seq.s32 s7, s2  }
0x1e: {  	s7 =	smul.u32 @!p0 $0xF7A, s2;
	p2 =	seq.s32 @!p0 s5, $0x0  }
0x1f: {  	s9 =	smul.u32 $0xF7A, s1;
	s8 =	simm.s32 @!p0 $0x1BF5;
	p2 =	por !p2, p0  }
0x20: {  	[sflag:s8] =	ssyncset.s32 @!p0 $0xFFFFF086;
	s6 =	sadd.s32 @!p0 s3, s7;
	s7 =	simm.s32 @!p0 $0x108  }
0x21: {  	s3 =	sadd.s32 s3, s9;
	s6 =	sadd.s32 @!p0 $0x88, s6;
	s7 =	simm.s32 @p2 $0x1082  }
0x22: {  	[simem:s7], [sflag:s8] =	dma.local @!p0 [hbm:s6], $0xF7A  }
0x23: {  	s9 =	sor.u32 $0xD0000000, s2;
	s6 =	simm.s32 $0x108;
	_ =	swait.ge @!p0 [sflag:s8], $0x0  }
0x24: {  	s3 =	sadd.s32 $0x88, s3;
	s6 =	simm.s32 @!p1 $0x1082;
	[sflag:s4] =	ssyncset.s32 $0xFFFFF086  }
0x25: {  	[simem:s6], [sflag:s4] =	dma.local [hbm:s3], $0xF7A  }
0x26: {  	[smem:$0x3F95] =	sst s1;
	(tag) =	ssettag s2;
	_ =	strace s9  }
0x27: {  	s1 =	sld [smem:$0x3FA5]  }
0x28: {  	s2 =	sld [smem:$0x3FA6]  }
0x29: {  	s4 =	sld [smem:$0x3FA8]  }
0x2a: {  	p0 =	seq.s32 s5, $0x0;
	s5 =	sld [smem:$0x3FA9]  }
0x2b: {  	s6 =	sld [smem:$0x3FAA]  }
0x2c: {  	s7 =	sld [smem:$0x3FAB]  }
0x2d: {  	s3 =	simm.s32 $0x108;
	s8 =	sld [smem:$0x3FAC]  }
0x2e: {  	s3 =	simm.s32 @!p0 $0x1082;
	s9 =	sld [smem:$0x3FAD]  }
0x2f: {  	lr =	sadd.s32 s0, s3;
	s0 =	sld [smem:$0x3FA4]  }
0x30: {  	s3 =	sld [smem:$0x3FA7]  }
0x31: {  	[smem:$0x3FB0] =	sst s10  }
0x32: {  	s10 =	sld [smem:$0x3FAE];
	_ =	sdelay $0x3  }
0x33: {  	p0 =	seq.s32 s10, $0x1;
	s10 =	sld [smem:$0x3FB0];
	_ =	sdelay $0x3  }
0x34: {  	[smem:$0x3FB0] =	sst s10  }
0x35: {  	s10 =	sld [smem:$0x3FAF];
	_ =	sdelay $0x3  }
0x36: {  	p1 =	seq.s32 s10, $0x1;
	s10 =	sld [smem:$0x3FB0];
	_ =	sdelay $0x3  }
0x37: {  	[smem:$0x3FB0] =	sst s10  }
0x38: {  	s10 =	sld [smem:$0x3FB1]  }
0x39: {  	_ = 	snop;
	(pc) =	sbr.ind lr, $3  }
0x3a: {  	_ = 	snop  }
0x3b: {  	_ = 	snop  }
0x3c: {  	p2 =	seq.s32 s10, $0x1;
	s10 =	sld [smem:$0x3FB0]  }
0x3d: {  	_ =	shalt  }
0x3e: {  	_ =	shalt  }
0x3f: {  	_ =	shalt  }
0x40: {  	_ =	shalt  }
0x41: {  	_ =	shalt  }
0x42: {  	_ =	shalt  }
0x43: {  	_ =	shalt  }
0x44: {  	_ =	shalt  }
0x45: {  	_ =	shalt  }
0x46: {  	_ =	shalt  }
0x47: {  	_ =	shalt  }
0x48: {  	_ =	shalt  }
0x49: {  	_ =	shalt  }
0x4a: {  	_ =	shalt  }
0x4b: {  	_ =	shalt  }
0x4c: {  	_ =	shalt  }
0x4d: {  	_ =	shalt  }
0x4e: {  	_ =	shalt  }
0x4f: {  	_ =	shalt  }
0x50: {  	_ =	shalt  }
0x51: {  	_ =	shalt  }
0x52: {  	_ =	shalt  }
0x53: {  	_ =	shalt  }
0x54: {  	_ =	shalt  }
0x55: {  	_ =	shalt  }
0x56: {  	_ =	shalt  }
0x57: {  	_ =	shalt  }
0x58: {  	_ =	shalt  }
0x59: {  	_ =	shalt  }
0x5a: {  	_ =	shalt  }
0x5b: {  	_ =	shalt  }
0x5c: {  	_ =	shalt  }
0x5d: {  	_ =	shalt  }
0x5e: {  	_ =	shalt  }
0x5f: {  	_ =	shalt  }
0x60: {  	_ =	shalt  }
0x61: {  	_ =	shalt  }
0x62: {  	_ =	shalt  }
0x63: {  	_ =	shalt  }
0x64: {  	_ =	shalt  }
0x65: {  	_ =	shalt  }
0x66: {  	_ =	shalt  }
0x67: {  	_ =	shalt  }
0x68: {  	_ =	shalt  }
0x69: {  	_ =	shalt  }
0x6a: {  	_ =	shalt  }
0x6b: {  	_ =	shalt  }
0x6c: {  	_ =	shalt  }
0x6d: {  	_ =	shalt  }
0x6e: {  	_ =	shalt  }
0x6f: {  	_ =	shalt  }
0x70: {  	_ =	shalt  }
0x71: {  	_ =	shalt  }
0x72: {  	_ =	shalt  }
0x73: {  	_ =	shalt  }
0x74: {  	_ =	shalt  }
0x75: {  	_ =	shalt  }
0x76: {  	_ =	shalt  }
0x77: {  	_ =	shalt  }
0x78: {  	_ =	shalt  }
0x79: {  	_ =	shalt  }
0x7a: {  	_ =	shalt  }
0x7b: {  	_ =	shalt  }
0x7c: {  	_ =	shalt  }
0x7d: {  	_ =	shalt  }
0x7e: {  	_ =	shalt  }
0x7f: {  	_ =	shalt  }
0x80: {  	_ =	shalt  }
0x81: {  	_ =	shalt  }
0x82: {  	_ =	shalt  }
0x83: {  	_ =	shalt  }
0x84: {  	_ =	shalt  }
0x85: {  	_ =	shalt  }
0x86: {  	_ =	shalt  }
0x87: {  	_ =	shalt  }
.Lfunc_end0:
.L_simem_size_0:
called_computation_lowered:
.L_overlay_start_0:
0x88: {  	s2 =	sld [smem:$0x3FD9]  }
0x89: {  	s3 =	sld [smem:$0x3FFE];
	_ =	sdelay $0x1  }
0x8a: {  	s1 =	srdreg.scid  }
0x8b: {  	s0 =	sand.u32 $0x1, s1  }
0x8c: {  	s14 =	sshll.u32 s0, $0xA;
	s2 =	sadd.s32 s3, s2  }
0x8d: {  	s2 =	sadd.s32 s2, s14  }
0x8e: {  	[smem:$0x3FBC] =	sst s2  }
0x8f: {  	_ = 	snop  }
0x90: {  	s2 =	sld [smem:$0x3FD0];
	_ =	sdelay $0x2  }
0x91: {  	s15 =	simm.s32 $0xA;
	s4 =	simm.s32 $0x10  }
0x92: {  	[smem:s4], [sflag:s15] =	dma.local [hbm:s2], $0x1  }
0x93: {  	_ =	swait.eq [sflag:s15], $0x1  }
0x94: {  	[sflag:s15] =	ssyncset.done $0x0  }
0x95: {  	[sflag:s15] =	ssyncadd.s32 $0xFFFFFFFF  }
0x96: {  	s16 =	sld [smem:$0x14];
	(tm) =	ssettm $0x1  }
0x97: {  	s17 =	sld [smem:$0x3FFB];
	_ =	sdelay $0x3  }
0x98: {  	_ =	strace s17  }
0x99: {  	s3 =	sld [smem:$0x3FFC];
	_ =	sdelay $0x3  }
0x9a: {  	_ =	strace s3  }
0x9b: {  	s3 =	sld [smem:$0x3FFD];
	_ =	sdelay $0x3  }
0x9c: {  	_ =	strace s3  }
0x9d: {  	_ =	strace $0x8FFFFFFF  }
0x9e: {  	s18 =	sld [smem:$0x3FDB];
	_ =	sdelay $0x1  }
0x9f: {  	s19 =	simm.s32 $_scs_section_size  }
0xa0: {  	s5 =	simm.s32 $_size__tile_overlayer_lowered;
	s6 =	simm.s32 $_tile_overlayer_lowered  }
0xa1: {  	s22 =	simm.s32 $0x1BFF;
	s21 =	sshll.u32 s6, $0x1;
	s3 =	sadd.s32 s19, s18  }
0xa2: {  	s7 =	simm.s32 $0x0;
	s20 =	sshll.u32 s5, $0x1;
	s5 =	sadd.s32 s21, s3  }
0xa3: {  	[timem:s7], [sflag:s22] =	dma.local [hbm:s5], s20  }
0xa4: {  	_ =	swait.ge [sflag:s22], s20  }
0xa5: {  	s4 =	ssub.s32 $0x0, s20;
	[sflag:s22] =	ssyncset.done $0x0  }
0xa6: {  	[sflag:s22] =	ssyncadd.s32 s4;
	_ =	sdelay $0x1  }
0xa7: {  	s23 =	simm.s32 $0x1B8B  }
0xa8: {  	_ =	swait.ge [sflag:s23], $0x1  }
0xa9: {  	[sflag:s23] =	ssyncset.done $0x0  }
0xaa: {  	s25 =	simm.s32 $0x1B8E;
	s24 =	sld [smem:$0x3FFE];
	[sflag:s23] =	ssyncadd.s32 $0xFFFFFFFF  }
0xab: {  	s26 =	simm.s32 $execute0_lowered;
	[smem:$0x3FD2] =	sst s25  }
0xac: {  	s5 =	sshll.u32 s26, $0x1;
	_ =	strace $0x80000046;
	[dreg:$0x1] =	wrdreg $0xFFFFFFFF  }
0xad: {  	s28 =	simm.s32 $_size_execute0_lowered;
	s3 =	sadd.s32 s3, s5;
	[dreg:$0x0] =	wrdreg $0x0  }
0xae: {  	s5 =	sshll.u32 s28, $0x1;
	[dreg:$0x2] =	wrdreg s3  }
0xaf: {  	[dreg:$0x3] =	wrdreg s5  }
0xb0: {  	[dreg:$0x4] =	wrdreg $0xC0  }
0xb1: {  	_ =	task [dreg:s7], $0x5FFFF  }
0xb2: {  	[dreg:$0x1] =	wrdreg $0xFFFFFFFF  }
0xb3: {  	[dreg:$0x0] =	wrdreg $0x60  }
0xb4: {  	[dreg:$0x2] =	wrdreg s24  }
0xb5: {  	[dreg:$0x3] =	wrdreg s16  }
0xb6: {  	[dreg:$0x4] =	wrdreg $0x0  }
0xb7: {  	[dreg:$0x5] =	wrdreg $0x9  }
0xb8: {  	_ =	task.clear_ibuf [dreg:s7], $0x6FFFF;
	_ =	strace $0x90000046  }
0xb9: {  	s29 =	simm.s32 $0x9;
	_ =	strace $0x80000048  }
0xba: {  	_ =	swait.ge [sflag:s29], $0x1  }
0xbb: {  	[sflag:s29] =	ssyncadd.s32 $0xFFFFFFFF  }
0xbc: {  	_ =	strace $0x90000048  }
0xbd: {  	_ =	sfence  }
0xbe: {  	s30 =	sld [smem:$0x0];
	_ =	sdelay $0x2  }
0xbf: {  	s31 =	sshll.u32 s1, $0xD;
	s1 =	sshrl.u32 s1, $0x2  }
0xc0: {  	s3 =	sand.u32 $0x4000, s31;
	s1 =	sadd.s32 s1, s30  }
0xc1: {  	s0 =	sor.u32 s3, s0;
	s1 =	sshll.u32 s1, $0x11  }
0xc2: {  	s0 =	sor.u32 s1, s0  }
0xc3: {  	s0 =	sadd.s32 $0x8F2B, s0  }
0xc4: {  	[sflag:s0] =	ssyncadd.remote.s32 $0x1  }
0xc5: {  	_ =	sfence.sel $0xFFFF  }
0xc6: {  	[dreg:$0x0] =	wrdreg $0xFFFFFFFF;
	(pc) =	sbr.abs _section_cstart, $3  }
0xc7: {  	[dreg:$0x1] =	wrdreg $0xFFFFFFFF  }
0xc8: {  	_ =	task.clear_ibuf [dreg:s7], $0x2FFFF;
	_ =	strace $0x9FFFFFFF  }
0xc9: {  	(tm) =	ssettm $0x7FFFFFFF  }
tec
execute0_lowered:
.L_overlay_start_1:
0x0: {  	(tag) =	ssettag $0x1  }
0x1: {  	s4 =	rddreg [dreg:$0x0]  }
0x2: {  	s7 =	rddreg [dreg:$0x1]  }
0x3: {  	s1 =	rddreg [dreg:$0x2];
	s2 =	srdreg.scid  }
0x4: {  	s0 =	rddreg [dreg:$0x3];
	s3 =	simm.s32 $0x0;
	s15 =	simm.s32 $0x300  }
0x5: {  	s16 =	simm.s32 $0x10;
	s5 =	sand.u32 $0x1, s2;
	s2 =	stileid.u32  }
0x6: {  	s17 =	simm.s32 $0x400;
	s18 =	simm.s32 $0x0;
	s8 =	smul.u32 $0x280, s2  }
0x7: {  	[smem:$0x7FF] =	sst s3;
	s9 =	sadd.s32 $0xC00, s4;
	s13 =	smul.u32 $0x2800, s5  }
0x8: {  	s6 =	sshll.u32 s5, $0x4;
	_ =	strace $0x80000047;
	s29 =	smul.u32 $0x27100, s5  }
0x9: {  	s10 =	ssub.s32 $0x2, s5;
	s31 =	sshll.u32 s2, $0x6;
	s14 =	smul.u32 $0x2710, s2  }
0xa: {  	s6 =	sor.u32 s2, s6;
	s12 =	sshrl.u32 s10, $0x1;
	s5 =	sor.u32 $0x1C01, s31  }
0xb: {  	s6 =	smul.u32 $0x2710, s6;
	s11 =	sshrl.u32 s8, $0x3;
	s10 =	ssub.s32 s10, s12  }
0xc: {  	s30 =	sadd.s32 s8, s1;
	s8 =	sadd.s32 s8, s13;
	s12 =	simm.s32 $0x280  }
0xd: {  	s13 =	simm.s32 $0x80;
	s4 =	sadd.s32 s11, s4;
	s11 =	sadd.s32 s14, s29  }
0xe: {  	s8 =	sshrl.u32 s8, $0x3;
	s14 =	simm.s32 $0x380;
	s4 =	sadd.s32 $0x14800, s4  }
0xf: {  	s6 =	sshrl.u32 s6, $0x3;
	s11 =	sshrl.u32 s11, $0x3;
	s7 =	sadd.s32 s7, s8  }
0x10: {  	s8 =	smax.u32 s10, $0x1;
	s10 =	sshrl.u32 s30, $0x3;
	s6 =	sadd.s32 s9, s6  }
0x11: {  	v0 =	vimm.f32 $1.000000000e+00;
	s9 =	sadd.s32 s11, s9;
	s11 =	simm.s32 $0x1;
	s6 =	sadd.s32 $0x4E0, s6  }
.LBB2_1:
0x12: {  	[spmem:s10], [sflag:s5] =	dma.local [hbm:s4], $0x50  }
0x13: {  	_ =	swait.ge [sflag:s11], $0x50  }
0x14: {  	[sflag:s11] =	ssyncset.done $0x0  }
0x15: {  	[sflag:s11] =	ssyncadd.s32 $0xFFFFFFB0  }
0x16: {  	[tilespmem:$0x380] =	vst v0  }
0x17: {  	[tilespmem:$0x390] =	vst v0  }
0x18: {  	[tilespmem:$0x3A0] =	vst v0  }
0x19: {  	[tilespmem:$0x3B0] =	vst v0  }
0x1a: {  	[tilespmem:$0x3C0] =	vst v0  }
0x1b: {  	[tilespmem:$0x3D0] =	vst v0  }
0x1c: {  	[tilespmem:$0x3E0] =	vst v0  }
0x1d: {  	[tilespmem:$0x3F0] =	vst v0  }
0x1e: {  	[tilespmem:$0x400] =	vst v0  }
0x1f: {  	s19 =	sadd.s32 $0x0, s9;
	[bflag:$0x0] =	sbarrier.arrive $0xFFFF  }
0x20: {  	[tilespmem:s12], [sflag:$0x1] =	stream.linear.gather [hbm4b:s19+s3], $0x80, $0x38;
	[tilespmem:$0x480] =	vst v63  }
0x21: {  	_ =	swait.ge [sflag:s11], $0x80  }
0x22: {  	[sflag:s11] =	ssyncset.done $0x0  }
0x23: {  	[sflag:s11] =	ssyncadd.s32 $0xFFFFFF80  }
0x24: {  	[spmem:s1] =	stream.indirect.scatter.add.f32 [tilespmem:s14], [sflag:$0x1], $0x1, s12, s13, $0xb8;
	[tilespmem:$0x480] =	vst v63  }
0x25: {  	_ =	swait.ge [sflag:s11], $0x80  }
0x26: {  	s20 =	simm.s32 $0x20;
	s19 =	simm.s32 $0x10;
	[sflag:s11] =	ssyncset.done $0x0  }
.LBB2_2:
0x27: {  	s21 =	sadd.s32 s19, s9  }
0x28: {  	[sflag:s11] =	ssyncadd.s32 $0xFFFFFF80;
	s19 =	smov.u32 s20;
	s22 =	sadd.s32 $0x10, s20  }
0x29: {  	[tilespmem:s12], [sflag:$0x1] =	stream.linear.gather [hbm4b:s21+s3], $0x80, $0x38;
	[tilespmem:$0x480] =	vst v63  }
0x2a: {  	p0 =	sne.s32 s20, $0x4D0;
	_ =	swait.ge [sflag:s11], $0x80  }
.Ltmp0:
0x2b: {  	[sflag:s11] =	ssyncset.done $0x0;
	(pc) =	sbr.rel @p0 .LBB2_2-.Ltmp0, $4  }
0x2c: {  	[sflag:s11] =	ssyncadd.s32 $0xFFFFFF80  }
0x2d: {  	[spmem:s1] =	stream.indirect.scatter.add.f32 [tilespmem:s14], [sflag:$0x1], $0x1, s12, s13, $0xb8;
	[tilespmem:$0x480] =	vst v63  }
0x2e: {  	_ =	swait.ge [sflag:s11], $0x80  }
0x2f: {  	s20 =	smov.u32 s22;
	[sflag:s11] =	ssyncset.done $0x0  }
0x30: {  	s19 =	sadd.s32 s19, s9;
	[sflag:s11] =	ssyncadd.s32 $0xFFFFFF80  }
0x31: {  	[tilespmem:s12], [sflag:$0x1] =	stream.linear.gather [hbm4b:s19+s3], $0x80, $0x38;
	[tilespmem:$0x480] =	vst v63  }
0x32: {  	_ =	swait.ge [sflag:s11], $0x80  }
0x33: {  	[sflag:s11] =	ssyncset.done $0x0  }
0x34: {  	[sflag:s11] =	ssyncadd.s32 $0xFFFFFF80  }
0x35: {  	[spmem:s1] =	stream.indirect.scatter.add.f32 [tilespmem:s14], [sflag:$0x1], $0x1, s12, s13, $0xb8;
	[tilespmem:$0x480] =	vst v63  }
0x36: {  	_ =	swait.ge [sflag:s11], $0x80  }
0x37: {  	[sflag:s11] =	ssyncset.done $0x0  }
0x38: {  	[sflag:s11] =	ssyncadd.s32 $0xFFFFFF80  }
0x39: {  	[tilespmem:s15], [sflag:$0x1] =	stream.linear.gather [hbm4b:s6+s3], $0x10, $0x38;
	[tilespmem:$0x480] =	vst v63  }
0x3a: {  	_ =	swait.ge [sflag:s11], $0x10  }
0x3b: {  	[sflag:s11] =	ssyncset.done $0x0  }
0x3c: {  	[sflag:s11] =	ssyncadd.s32 $0xFFFFFFF0  }
0x3d: {  	[spmem:s1] =	stream.indirect.scatter.add.f32 [tilespmem:s17], [sflag:$0x1], $0x1, s15, s16, $0xb8;
	[tilespmem:$0x480] =	vst v63  }
0x3e: {  	_ =	swait.ge [sflag:s11], $0x10  }
0x3f: {  	s18 =	sadd.s32 $0x1, s18;
	[sflag:s11] =	ssyncset.done $0x0  }
0x40: {  	p0 =	sne.s32 s18, s8;
	[sflag:s11] =	ssyncadd.s32 $0xFFFFFFF0  }
.Ltmp1:
0x41: {  	[bflag:$0x0] =	sbarrier.arrive $0xFFFF;
	(pc) =	sbr.rel @p0 .LBB2_1-.Ltmp1, $4  }
0x42: {  	[hbm:s7], [sflag:s5] =	dma.local [spmem:s10], $0x50  }
0x43: {  	_ =	swait.ge [sflag:s11], $0x50  }
0x44: {  	[sflag:s11] =	ssyncset.done $0x0  }
0x45: {  	[sflag:s11] =	ssyncadd.s32 $0xFFFFFFB0  }
0x46: {  	_ =	sfence.sel $0x180000  }
0x47: {  	[bflag:$0x0] =	sbarrier.arrive $0xFFFF  }
0x48: {  	p0 =	sne.s32 s2, $0x0;
	_ =	strace $0x90000047  }
0x49: {  	s0 =	sadd.s32 @!p0 $0x100000, s0;
	[bflag:$0x2] =	sbarrier.arrive $0xFFFF  }
0x4a: {  	[sflag:s0] =	ssyncadd.tile.s32 @!p0 $0x1;
	_ =	shalt  }
.Lfunc_end2:
_tile_overlayer_lowered:
.L_overlay_start_2:
0x4b: {  	(tag) =	ssettag $0x2  }
0x4c: {  	s0 =	rddreg [dreg:$0x0];
	s2 =	stileid.u32  }
0x4d: {  	s1 =	rddreg [dreg:$0x1];
	p0 =	sne.s32 s2, $0x0  }
0x4e: {  	s3 =	rddreg [dreg:$0x2];
	[bflag:$0x3] =	sbarrier.arrive $0xFFFF;
	s2 =	simm.s32 @!p0 $0x1C01  }
0x4f: {  	[timem:s3], [sflag:s2] =	dma.local @!p0 [hbm:s0], s1  }
0x50: {  	s0 =	simm.s32 @!p0 $0x1  }
0x51: {  	_ =	swait.ge @!p0 [sflag:s0], s1  }
0x52: {  	s1 =	ssub.s32 @!p0 $0x0, s1;
	[sflag:s0] =	ssyncset.done @!p0 $0x0  }
0x53: {  	[sflag:s0] =	ssyncadd.s32 @!p0 s1  }
0x54: {  	[bflag:$0x3] =	sbarrier.arrive $0xFFFF  }
0x55: {  	_ =	shalt  }

</sc_bundles>
